<compile_context>
chip_gen: v7x
topology: tpu7x:2x2x1
jax: 0.10.2.dev20260603
libtpu: 0.0.44.dev20260713+nightly
codegen_flags: <defaults>
</compile_context>

<pallas_src>
import functools

import jax
import jax.numpy as jnp
from jax import lax
from jax.experimental import pallas as pl
from jax.experimental.pallas import tpu as pltpu
from jax.experimental.pallas import tpu_sc as plsc

_VOCAB = 6
_EPS = 1e-5
_SC_SEQ = 48


def _normed_rows(tok_ref, pos, gamma, beta, v):
    row = tok_ref[pl.ds(v, 1), :] + pos
    mean = jnp.mean(row, axis=-1, keepdims=True)
    cent = row - mean
    var = jnp.mean(cent * cent, axis=-1, keepdims=True)
    normed = cent * jax.lax.rsqrt(var + _EPS)
    return normed * gamma + beta


def _table_body(tok_ref, pos_ref, gamma_ref, beta_ref, out_ref):
    seq, d = pos_ref.shape
    pos = pos_ref[...]
    gamma = gamma_ref[...]
    beta = beta_ref[...]
    for v in range(_VOCAB):
        out_ref[pl.ds(v * seq, seq), :] = _normed_rows(tok_ref, pos, gamma, beta, v)


def _tail_body(x_ref, tok_ref, pos_ref, gamma_ref, beta_ref, _, out_ref, vmem, sem):
    d = pos_ref.shape[-1]
    b_blk = x_ref.shape[0]
    pos = pos_ref[...]
    gamma = gamma_ref[...]
    beta = beta_ref[...]
    xb = x_ref[...]
    acc = None
    for v in range(_VOCAB):
        normed = _normed_rows(tok_ref, pos, gamma, beta, v)
        if acc is None:
            acc = jnp.broadcast_to(normed[None], (b_blk, 2, d))
        else:
            acc = jnp.where(xb == v, normed[None], acc)
    vmem[...] = acc
    i = pl.program_id(0)
    pltpu.make_async_copy(
        vmem,
        out_ref.at[pl.ds(i * b_blk, b_blk), pl.ds(_SC_SEQ, 2), :],
        sem,
    ).start()
    pltpu.make_async_copy(
        vmem,
        out_ref.at[pl.ds(i * b_blk, b_blk), pl.ds(_SC_SEQ, 2), :],
        sem,
    ).wait()


@jax.jit
def _run(x, tok_table, pos_table, gamma, beta):
    batch, seq = x.shape
    d = tok_table.shape[-1]
    gamma2 = gamma.reshape(1, d)
    beta2 = beta.reshape(1, d)

    table = pl.pallas_call(
        _table_body,
        out_shape=jax.ShapeDtypeStruct((_VOCAB * seq, d), jnp.float32),
    )(tok_table, pos_table, gamma2, beta2)

    cidx = x[:, :_SC_SEQ] * seq + jnp.arange(_SC_SEQ, dtype=jnp.int32)[None, :]
    cidx = cidx.reshape(batch // 2, 2 * _SC_SEQ)

    info = plsc.get_sparse_core_info()
    nw = info.num_cores * info.num_subcores
    units_per = (batch // 2) // nw
    mesh = plsc.VectorSubcoreMesh(core_axis_name="c", subcore_axis_name="s")

    @functools.partial(
        pl.kernel,
        out_type=jax.ShapeDtypeStruct((batch, seq, d), jnp.float32),
        mesh=mesh,
        scratch_types=[
            pltpu.VMEM((units_per, 2 * _SC_SEQ), jnp.int32),
            pltpu.VMEM((2 * _SC_SEQ, d), jnp.float32),
            pltpu.SemaphoreType.DMA,
        ],
    )
    def sc_lookup(table_hbm, cidx_hbm, out_hbm, idx_v, rows_v, sem):
        wid = lax.axis_index("s") * info.num_cores + lax.axis_index("c")
        base = wid * units_per
        pltpu.sync_copy(cidx_hbm.at[pl.ds(base, units_per)], idx_v)

        def body(i, carry):
            p0 = (base + i) * 2
            pltpu.async_copy(table_hbm.at[idx_v.at[i]], rows_v, sem).wait()
            pltpu.sync_copy(
                rows_v.at[pl.ds(0, _SC_SEQ)],
                out_hbm.at[p0, pl.ds(0, _SC_SEQ)],
            )
            pltpu.sync_copy(
                rows_v.at[pl.ds(_SC_SEQ, _SC_SEQ)],
                out_hbm.at[p0 + 1, pl.ds(0, _SC_SEQ)],
            )
            return carry

        lax.fori_loop(0, units_per, body, 0)

    sc_out = sc_lookup(table, cidx)

    b_blk = 256
    tail = pl.pallas_call(
        _tail_body,
        grid=(batch // b_blk,),
        in_specs=[
            pl.BlockSpec((b_blk, 2, 1), lambda i: (i, 0, 0)),
            pl.BlockSpec((_VOCAB, d), lambda i: (0, 0)),
            pl.BlockSpec((2, d), lambda i: (0, 0)),
            pl.BlockSpec((1, d), lambda i: (0, 0)),
            pl.BlockSpec((1, d), lambda i: (0, 0)),
            pl.BlockSpec(memory_space=pltpu.MemorySpace.HBM),
        ],
        out_specs=pl.BlockSpec(memory_space=pl.ANY),
        out_shape=jax.ShapeDtypeStruct((batch, seq, d), jnp.float32),
        input_output_aliases={5: 0},
        scratch_shapes=[
            pltpu.VMEM((b_blk, 2, d), jnp.float32),
            pltpu.SemaphoreType.DMA,
        ],
        compiler_params=pltpu.CompilerParams(
            dimension_semantics=("arbitrary",),
        ),
    )(x[:, _SC_SEQ:, None], tok_table, pos_table[_SC_SEQ:], gamma2, beta2, sc_out)
    return tail


def kernel(x, tok_table, pos_table, gamma, beta):
    return _run(x, tok_table, pos_table, gamma, beta)

# --- scband reference (transcript-rebuilt; emitter-appended) ---
"""Pipeline reference for scband-embedding-65017214927128 (READ-ONLY COPY).

The authoritative reference and input builder live on the scoring server;
editing this copy changes nothing except your own understanding.
"""

import jax, jax.numpy as jnp
import numpy as np

VOCAB_SIZE = 6
MAX_LEN = 50
D_MODEL = 768
BATCH = 16384
SEQ_LEN = 50


def setup_inputs(seed: int = 0) -> dict:
    key = jax.random.key(seed)
    k1, k2, k3 = jax.random.split(key, 3)
    x = jax.random.randint(k1, (BATCH, SEQ_LEN), 0, VOCAB_SIZE, dtype=jnp.int32)
    tok_table = jax.random.normal(k2, (VOCAB_SIZE, D_MODEL), dtype=jnp.float32)
    pos_table = jax.random.normal(k3, (MAX_LEN, D_MODEL), dtype=jnp.float32)
    gamma = jnp.ones((D_MODEL,), dtype=jnp.float32)
    beta = jnp.zeros((D_MODEL,), dtype=jnp.float32)
    return {"x": x, "tok_table": tok_table, "pos_table": pos_table, "gamma": gamma, "beta": beta}


def reference(x, tok_table, pos_table, gamma, beta):
    seq_len = x.shape[1]
    pos = jnp.arange(seq_len, dtype=jnp.int32)
    tok_emb = jnp.take(tok_table, x, axis=0)
    pos_emb = jnp.take(pos_table, pos, axis=0)[None, :, :]
    embedding = tok_emb + pos_emb
    mean = jnp.mean(embedding, axis=-1, keepdims=True)
    var = jnp.var(embedding, axis=-1, keepdims=True)
    normed = (embedding - mean) / jnp.sqrt(var + 1e-5)
    return normed * gamma + beta

if __name__ == "__main__":
    import jax
    _d = setup_inputs()
    print(jax.jit(kernel)(*tuple(_d.values())))

</pallas_src>

<mosaic_0001>
#map = affine_map<(d0, d1) -> (0, 0)>
#map1 = affine_map<(d0, d1) -> (0, 0, 0)>
module attributes {stable_mosaic.version = 14 : i64} {
  func.func @sc_lookup(%arg0: i32, %arg1: i32, %arg2: memref<300x768xf32, #tpu.memory_space<hbm>>, %arg3: memref<8192x96xi32, #tpu.memory_space<hbm>>, %arg4: memref<16384x50x768xf32, #tpu.memory_space<hbm>>, %arg5: memref<256x96xi32, #tpu.memory_space<vmem>>, %arg6: memref<96x768xf32, #tpu.memory_space<vmem>>, %arg7: memref<!tpu.dma_semaphore, #tpu.memory_space<semaphore_mem>>) attributes {dimension_semantics = [#tpu.dimension_semantics<core_parallel>, #tpu.dimension_semantics<subcore_parallel>], iteration_bounds = array<i64: 2, 16>, scalar_prefetch = 0 : i64, scratch_operands = 3 : i64, tpu.core_type = #tpu.core_type<sc_vector_subcore>, window_params = [{transform_indices = #map}, {transform_indices = #map}, {transform_indices = #map1}]} {
    %mul3A = arith.constant 2 : i32
    %mul3A_0 = arith.muli %arg1, %mul3A : i32
    %add3A = arith.addi %mul3A_0, %arg0 : i32
    %mul3A_1 = arith.constant 256 : i32
    %mul3A_2 = arith.muli %add3A, %mul3A_1 : i32
    "tpu.region"() ({
      %run_scoped3A = tpu.sem_alloc : memref<!tpu.dma_semaphore, #tpu.memory_space<semaphore_mem>>
      %dma_start3A = arith.constant 0 : i32
      %dma_start3A_8 = tpu.memref_slice %arg3[%mul3A_2, %dma_start3A] : memref<8192x96xi32, #tpu.memory_space<hbm>> -> memref<256x96xi32, #tpu.memory_space<hbm>>
      %dma_start3A_9 = arith.constant 0 : i32
      %dma_start3A_10 = tpu.memref_slice %arg3[%mul3A_2, %dma_start3A_9] : memref<8192x96xi32, #tpu.memory_space<hbm>> -> memref<256x96xi32, #tpu.memory_space<hbm>>
      tpu.enqueue_dma source(%dma_start3A_10 : memref<256x96xi32, #tpu.memory_space<hbm>>) target(%arg5 : memref<256x96xi32, #tpu.memory_space<vmem>>) target_semaphore(%run_scoped3A : memref<!tpu.dma_semaphore, #tpu.memory_space<semaphore_mem>>)
      %dma_wait3A = arith.constant 0 : i32
      %dma_wait3A_11 = tpu.memref_slice %arg3[%mul3A_2, %dma_wait3A] : memref<8192x96xi32, #tpu.memory_space<hbm>> -> memref<256x96xi32, #tpu.memory_space<hbm>>
      %dma_wait3A_12 = arith.constant 0 : i32
      %dma_wait3A_13 = tpu.memref_slice %arg3[%mul3A_2, %dma_wait3A_12] : memref<8192x96xi32, #tpu.memory_space<hbm>> -> memref<256x96xi32, #tpu.memory_space<hbm>>
      tpu.wait_dma2 semaphore(%run_scoped3A : memref<!tpu.dma_semaphore, #tpu.memory_space<semaphore_mem>>) src(%dma_wait3A_13 : memref<256x96xi32, #tpu.memory_space<hbm>>) dst(%arg5 : memref<256x96xi32, #tpu.memory_space<vmem>>)
      tpu.yield
    }) : () -> ()
    %scan3A = arith.constant 0 : i32
    %scan3A_3 = arith.constant 0 : i32
    %scan3A_4 = arith.constant 256 : i32
    %scan3A_5 = arith.addi %scan3A_3, %scan3A_4 : i32
    %scan3A_6 = arith.constant 1 : i32
    scf.for %scan3A_8 = %scan3A_3 to %scan3A_5 step %scan3A_6  : i32 {
      %add3A_9 = arith.addi %mul3A_2, %scan3A_8 : i32
      %mul3A_10 = arith.constant 2 : i32
      %mul3A_11 = arith.muli %add3A_9, %mul3A_10 : i32
      %dma_start3A = arith.constant 0 : i32
      %dma_start3A_12 = tpu.memref_slice %arg5[%scan3A_8, %dma_start3A] : memref<256x96xi32, #tpu.memory_space<vmem>> -> memref<1x96xi32, #tpu.memory_space<vmem>>
      %dma_start3A_13 = tpu.memref_squeeze %dma_start3A_12 : memref<1x96xi32, #tpu.memory_space<vmem>> -> memref<96xi32, #tpu.memory_space<vmem>>
      %dma_start3A_14 = arith.constant 0 : i32
      %dma_start3A_15 = arith.constant 0 : i32
      %dma_start3A_16 = tpu.memref_slice %arg2[%dma_start3A_14, %dma_start3A_15] : memref<300x768xf32, #tpu.memory_space<hbm>> -> memref<300x768xf32, #tpu.memory_space<hbm>>
      tpu.enqueue_indirect_dma source(%dma_start3A_16 : memref<300x768xf32, #tpu.memory_space<hbm>>) target(%arg6 : memref<96x768xf32, #tpu.memory_space<vmem>>) offsets(%dma_start3A_13 : memref<96xi32, #tpu.memory_space<vmem>>) semaphore(%arg7 : memref<!tpu.dma_semaphore, #tpu.memory_space<semaphore_mem>>)
      %dma_wait3A = arith.constant 0 : i32
      %dma_wait3A_17 = tpu.memref_slice %arg5[%scan3A_8, %dma_wait3A] : memref<256x96xi32, #tpu.memory_space<vmem>> -> memref<1x96xi32, #tpu.memory_space<vmem>>
      %dma_wait3A_18 = tpu.memref_squeeze %dma_wait3A_17 : memref<1x96xi32, #tpu.memory_space<vmem>> -> memref<96xi32, #tpu.memory_space<vmem>>
      %dma_wait3A_19 = arith.constant 0 : i32
      %dma_wait3A_20 = arith.constant 0 : i32
      %dma_wait3A_21 = tpu.memref_slice %arg2[%dma_wait3A_19, %dma_wait3A_20] : memref<300x768xf32, #tpu.memory_space<hbm>> -> memref<300x768xf32, #tpu.memory_space<hbm>>
      tpu.wait_indirect_dma semaphore(%arg7 : memref<!tpu.dma_semaphore, #tpu.memory_space<semaphore_mem>>) src(%dma_wait3A_21 : memref<300x768xf32, #tpu.memory_space<hbm>>) dst(%arg6 : memref<96x768xf32, #tpu.memory_space<vmem>>)
      "tpu.region"() ({
        %run_scoped3A = tpu.sem_alloc : memref<!tpu.dma_semaphore, #tpu.memory_space<semaphore_mem>>
        %dma_start3A_24 = arith.constant 0 : i32
        %dma_start3A_25 = arith.constant 0 : i32
        %dma_start3A_26 = tpu.memref_slice %arg6[%dma_start3A_24, %dma_start3A_25] : memref<96x768xf32, #tpu.memory_space<vmem>> -> memref<48x768xf32, #tpu.memory_space<vmem>>
        %dma_start3A_27 = arith.constant 0 : i32
        %dma_start3A_28 = arith.constant 0 : i32
        %dma_start3A_29 = tpu.memref_slice %arg4[%mul3A_11, %dma_start3A_27, %dma_start3A_28] : memref<16384x50x768xf32, #tpu.memory_space<hbm>> -> memref<1x48x768xf32, #tpu.memory_space<hbm>>
        %dma_start3A_30 = tpu.memref_squeeze %dma_start3A_29 : memref<1x48x768xf32, #tpu.memory_space<hbm>> -> memref<48x768xf32, #tpu.memory_space<hbm>>
        %dma_start3A_31 = arith.constant 0 : i32
        %dma_start3A_32 = arith.constant 0 : i32
        %dma_start3A_33 = tpu.memref_slice %arg4[%mul3A_11, %dma_start3A_31, %dma_start3A_32] : memref<16384x50x768xf32, #tpu.memory_space<hbm>> -> memref<1x48x768xf32, #tpu.memory_space<hbm>>
        %dma_start3A_34 = tpu.memref_squeeze %dma_start3A_33 : memref<1x48x768xf32, #tpu.memory_space<hbm>> -> memref<48x768xf32, #tpu.memory_space<hbm>>
        %dma_start3A_35 = arith.constant 0 : i32
        %dma_start3A_36 = arith.constant 0 : i32
        %dma_start3A_37 = tpu.memref_slice %arg6[%dma_start3A_35, %dma_start3A_36] : memref<96x768xf32, #tpu.memory_space<vmem>> -> memref<48x768xf32, #tpu.memory_space<vmem>>
        tpu.enqueue_dma source(%dma_start3A_37 : memref<48x768xf32, #tpu.memory_space<vmem>>) target(%dma_start3A_34 : memref<48x768xf32, #tpu.memory_space<hbm>>) target_semaphore(%run_scoped3A : memref<!tpu.dma_semaphore, #tpu.memory_space<semaphore_mem>>)
        %dma_wait3A_38 = arith.constant 0 : i32
        %dma_wait3A_39 = arith.constant 0 : i32
        %dma_wait3A_40 = tpu.memref_slice %arg6[%dma_wait3A_38, %dma_wait3A_39] : memref<96x768xf32, #tpu.memory_space<vmem>> -> memref<48x768xf32, #tpu.memory_space<vmem>>
        %dma_wait3A_41 = arith.constant 0 : i32
        %dma_wait3A_42 = arith.constant 0 : i32
        %dma_wait3A_43 = tpu.memref_slice %arg4[%mul3A_11, %dma_wait3A_41, %dma_wait3A_42] : memref<16384x50x768xf32, #tpu.memory_space<hbm>> -> memref<1x48x768xf32, #tpu.memory_space<hbm>>
        %dma_wait3A_44 = tpu.memref_squeeze %dma_wait3A_43 : memref<1x48x768xf32, #tpu.memory_space<hbm>> -> memref<48x768xf32, #tpu.memory_space<hbm>>
        %dma_wait3A_45 = arith.constant 0 : i32
        %dma_wait3A_46 = arith.constant 0 : i32
        %dma_wait3A_47 = tpu.memref_slice %arg4[%mul3A_11, %dma_wait3A_45, %dma_wait3A_46] : memref<16384x50x768xf32, #tpu.memory_space<hbm>> -> memref<1x48x768xf32, #tpu.memory_space<hbm>>
        %dma_wait3A_48 = tpu.memref_squeeze %dma_wait3A_47 : memref<1x48x768xf32, #tpu.memory_space<hbm>> -> memref<48x768xf32, #tpu.memory_space<hbm>>
        %dma_wait3A_49 = arith.constant 0 : i32
        %dma_wait3A_50 = arith.constant 0 : i32
        %dma_wait3A_51 = tpu.memref_slice %arg6[%dma_wait3A_49, %dma_wait3A_50] : memref<96x768xf32, #tpu.memory_space<vmem>> -> memref<48x768xf32, #tpu.memory_space<vmem>>
        tpu.wait_dma2 semaphore(%run_scoped3A : memref<!tpu.dma_semaphore, #tpu.memory_space<semaphore_mem>>) src(%dma_wait3A_51 : memref<48x768xf32, #tpu.memory_space<vmem>>) dst(%dma_wait3A_48 : memref<48x768xf32, #tpu.memory_space<hbm>>)
        tpu.yield
      }) : () -> ()
      %add3A_22 = arith.constant 1 : i32
      %add3A_23 = arith.addi %mul3A_11, %add3A_22 : i32
      "tpu.region"() ({
        %run_scoped3A = tpu.sem_alloc : memref<!tpu.dma_semaphore, #tpu.memory_space<semaphore_mem>>
        %dma_start3A_24 = arith.constant 48 : i32
        %dma_start3A_25 = arith.constant 0 : i32
        %dma_start3A_26 = tpu.memref_slice %arg6[%dma_start3A_24, %dma_start3A_25] : memref<96x768xf32, #tpu.memory_space<vmem>> -> memref<48x768xf32, #tpu.memory_space<vmem>>
        %dma_start3A_27 = arith.constant 0 : i32
        %dma_start3A_28 = arith.constant 0 : i32
        %dma_start3A_29 = tpu.memref_slice %arg4[%add3A_23, %dma_start3A_27, %dma_start3A_28] : memref<16384x50x768xf32, #tpu.memory_space<hbm>> -> memref<1x48x768xf32, #tpu.memory_space<hbm>>
        %dma_start3A_30 = tpu.memref_squeeze %dma_start3A_29 : memref<1x48x768xf32, #tpu.memory_space<hbm>> -> memref<48x768xf32, #tpu.memory_space<hbm>>
        %dma_start3A_31 = arith.constant 0 : i32
        %dma_start3A_32 = arith.constant 0 : i32
        %dma_start3A_33 = tpu.memref_slice %arg4[%add3A_23, %dma_start3A_31, %dma_start3A_32] : memref<16384x50x768xf32, #tpu.memory_space<hbm>> -> memref<1x48x768xf32, #tpu.memory_space<hbm>>
        %dma_start3A_34 = tpu.memref_squeeze %dma_start3A_33 : memref<1x48x768xf32, #tpu.memory_space<hbm>> -> memref<48x768xf32, #tpu.memory_space<hbm>>
        %dma_start3A_35 = arith.constant 48 : i32
        %dma_start3A_36 = arith.constant 0 : i32
        %dma_start3A_37 = tpu.memref_slice %arg6[%dma_start3A_35, %dma_start3A_36] : memref<96x768xf32, #tpu.memory_space<vmem>> -> memref<48x768xf32, #tpu.memory_space<vmem>>
        tpu.enqueue_dma source(%dma_start3A_37 : memref<48x768xf32, #tpu.memory_space<vmem>>) target(%dma_start3A_34 : memref<48x768xf32, #tpu.memory_space<hbm>>) target_semaphore(%run_scoped3A : memref<!tpu.dma_semaphore, #tpu.memory_space<semaphore_mem>>)
        %dma_wait3A_38 = arith.constant 48 : i32
        %dma_wait3A_39 = arith.constant 0 : i32
        %dma_wait3A_40 = tpu.memref_slice %arg6[%dma_wait3A_38, %dma_wait3A_39] : memref<96x768xf32, #tpu.memory_space<vmem>> -> memref<48x768xf32, #tpu.memory_space<vmem>>
        %dma_wait3A_41 = arith.constant 0 : i32
        %dma_wait3A_42 = arith.constant 0 : i32
        %dma_wait3A_43 = tpu.memref_slice %arg4[%add3A_23, %dma_wait3A_41, %dma_wait3A_42] : memref<16384x50x768xf32, #tpu.memory_space<hbm>> -> memref<1x48x768xf32, #tpu.memory_space<hbm>>
        %dma_wait3A_44 = tpu.memref_squeeze %dma_wait3A_43 : memref<1x48x768xf32, #tpu.memory_space<hbm>> -> memref<48x768xf32, #tpu.memory_space<hbm>>
        %dma_wait3A_45 = arith.constant 0 : i32
        %dma_wait3A_46 = arith.constant 0 : i32
        %dma_wait3A_47 = tpu.memref_slice %arg4[%add3A_23, %dma_wait3A_45, %dma_wait3A_46] : memref<16384x50x768xf32, #tpu.memory_space<hbm>> -> memref<1x48x768xf32, #tpu.memory_space<hbm>>
        %dma_wait3A_48 = tpu.memref_squeeze %dma_wait3A_47 : memref<1x48x768xf32, #tpu.memory_space<hbm>> -> memref<48x768xf32, #tpu.memory_space<hbm>>
        %dma_wait3A_49 = arith.constant 48 : i32
        %dma_wait3A_50 = arith.constant 0 : i32
        %dma_wait3A_51 = tpu.memref_slice %arg6[%dma_wait3A_49, %dma_wait3A_50] : memref<96x768xf32, #tpu.memory_space<vmem>> -> memref<48x768xf32, #tpu.memory_space<vmem>>
        tpu.wait_dma2 semaphore(%run_scoped3A : memref<!tpu.dma_semaphore, #tpu.memory_space<semaphore_mem>>) src(%dma_wait3A_51 : memref<48x768xf32, #tpu.memory_space<vmem>>) dst(%dma_wait3A_48 : memref<48x768xf32, #tpu.memory_space<hbm>>)
        tpu.yield
      }) : () -> ()
    }
    %scan3A_7 = arith.constant 256 : i32
    return
  }
}

module attributes {stable_mosaic.version = 14 : i64} {
  func.func @_table_body(%arg0: memref<6x768xf32, #tpu.memory_space<vmem>>, %arg1: memref<50x768xf32, #tpu.memory_space<vmem>>, %arg2: memref<1x768xf32, #tpu.memory_space<vmem>>, %arg3: memref<1x768xf32, #tpu.memory_space<vmem>>, %arg4: memref<300x768xf32, #tpu.memory_space<vmem>>) attributes {dimension_semantics = [], scalar_prefetch = 0 : i64, scratch_operands = 0 : i64, tpu.core_type = #tpu.core_type<tc>} {
    %get3A = arith.constant 0 : index
    %get3A_0 = arith.constant 0 : index
    %get3A_1 = vector.load %arg1[%get3A, %get3A_0] : memref<50x768xf32, #tpu.memory_space<vmem>>, vector<50x768xf32>
    %get3A_2 = arith.constant 0 : index
    %get3A_3 = arith.constant 0 : index
    %get3A_4 = vector.load %arg2[%get3A_2, %get3A_3] : memref<1x768xf32, #tpu.memory_space<vmem>>, vector<1x768xf32>
    %get3A_5 = arith.constant 0 : index
    %get3A_6 = arith.constant 0 : index
    %get3A_7 = vector.load %arg3[%get3A_5, %get3A_6] : memref<1x768xf32, #tpu.memory_space<vmem>>, vector<1x768xf32>
    %get3A_8 = arith.constant 0 : index
    %get3A_9 = arith.constant 0 : index
    %get3A_10 = vector.load %arg0[%get3A_8, %get3A_9] : memref<6x768xf32, #tpu.memory_space<vmem>>, vector<1x768xf32>
    %add3A = vector.broadcast %get3A_10 : vector<1x768xf32> to vector<50x768xf32>
    %add3A_11 = arith.addf %add3A, %get3A_1 : vector<50x768xf32>
    %reduce_sum3A = arith.constant dense<0.000000e+00> : vector<50xf32>
    %reduce_sum3A_12 = vector.multi_reduction <add>, %add3A_11, %reduce_sum3A [1] : vector<50x768xf32> to vector<50xf32>
    %broadcast_in_dim3A = vector.shape_cast %reduce_sum3A_12 : vector<50xf32> to vector<50x1xf32>
    %div3A = arith.constant 7.680000e+02 : f32
    %div3A_13 = vector.broadcast %div3A : f32 to vector<50x1xf32>
    %div3A_14 = arith.divf %broadcast_in_dim3A, %div3A_13 : vector<50x1xf32>
    %sub3A = vector.broadcast %div3A_14 : vector<50x1xf32> to vector<50x768xf32>
    %sub3A_15 = arith.subf %add3A_11, %sub3A : vector<50x768xf32>
    %mul3A = arith.mulf %sub3A_15, %sub3A_15 : vector<50x768xf32>
    %reduce_sum3A_16 = arith.constant dense<0.000000e+00> : vector<50xf32>
    %reduce_sum3A_17 = vector.multi_reduction <add>, %mul3A, %reduce_sum3A_16 [1] : vector<50x768xf32> to vector<50xf32>
    %broadcast_in_dim3A_18 = vector.shape_cast %reduce_sum3A_17 : vector<50xf32> to vector<50x1xf32>
    %div3A_19 = arith.constant 7.680000e+02 : f32
    %div3A_20 = vector.broadcast %div3A_19 : f32 to vector<50x1xf32>
    %div3A_21 = arith.divf %broadcast_in_dim3A_18, %div3A_20 : vector<50x1xf32>
    %add3A_22 = arith.constant 9.99999974E-6 : f32
    %add3A_23 = vector.broadcast %add3A_22 : f32 to vector<50x1xf32>
    %add3A_24 = arith.addf %div3A_21, %add3A_23 : vector<50x1xf32>
    %rsqrt3A = math.rsqrt %add3A_24 : vector<50x1xf32>
    %mul3A_25 = vector.broadcast %rsqrt3A : vector<50x1xf32> to vector<50x768xf32>
    %mul3A_26 = arith.mulf %sub3A_15, %mul3A_25 : vector<50x768xf32>
    %mul3A_27 = vector.broadcast %get3A_4 : vector<1x768xf32> to vector<50x768xf32>
    %mul3A_28 = arith.mulf %mul3A_26, %mul3A_27 : vector<50x768xf32>
    %add3A_29 = vector.broadcast %get3A_7 : vector<1x768xf32> to vector<50x768xf32>
    %add3A_30 = arith.addf %mul3A_28, %add3A_29 : vector<50x768xf32>
    %swap3A = arith.constant 0 : index
    %swap3A_31 = arith.constant 0 : index
    %swap3A_32 = vector.load %arg4[%swap3A, %swap3A_31] : memref<300x768xf32, #tpu.memory_space<vmem>>, vector<50x768xf32>
    tpu.vector_store %arg4[%swap3A, %swap3A_31], %add3A_30 {strides = array<i32>} : memref<300x768xf32, #tpu.memory_space<vmem>>, vector<50x768xf32>,
    %get3A_33 = arith.constant 1 : index
    %get3A_34 = arith.constant 0 : index
    %get3A_35 = vector.load %arg0[%get3A_33, %get3A_34] : memref<6x768xf32, #tpu.memory_space<vmem>>, vector<1x768xf32>
    %add3A_36 = vector.broadcast %get3A_35 : vector<1x768xf32> to vector<50x768xf32>
    %add3A_37 = arith.addf %add3A_36, %get3A_1 : vector<50x768xf32>
    %reduce_sum3A_38 = arith.constant dense<0.000000e+00> : vector<50xf32>
    %reduce_sum3A_39 = vector.multi_reduction <add>, %add3A_37, %reduce_sum3A_38 [1] : vector<50x768xf32> to vector<50xf32>
    %broadcast_in_dim3A_40 = vector.shape_cast %reduce_sum3A_39 : vector<50xf32> to vector<50x1xf32>
    %div3A_41 = arith.constant 7.680000e+02 : f32
    %div3A_42 = vector.broadcast %div3A_41 : f32 to vector<50x1xf32>
    %div3A_43 = arith.divf %broadcast_in_dim3A_40, %div3A_42 : vector<50x1xf32>
    %sub3A_44 = vector.broadcast %div3A_43 : vector<50x1xf32> to vector<50x768xf32>
    %sub3A_45 = arith.subf %add3A_37, %sub3A_44 : vector<50x768xf32>
    %mul3A_46 = arith.mulf %sub3A_45, %sub3A_45 : vector<50x768xf32>
    %reduce_sum3A_47 = arith.constant dense<0.000000e+00> : vector<50xf32>
    %reduce_sum3A_48 = vector.multi_reduction <add>, %mul3A_46, %reduce_sum3A_47 [1] : vector<50x768xf32> to vector<50xf32>
    %broadcast_in_dim3A_49 = vector.shape_cast %reduce_sum3A_48 : vector<50xf32> to vector<50x1xf32>
    %div3A_50 = arith.constant 7.680000e+02 : f32
    %div3A_51 = vector.broadcast %div3A_50 : f32 to vector<50x1xf32>
    %div3A_52 = arith.divf %broadcast_in_dim3A_49, %div3A_51 : vector<50x1xf32>
    %add3A_53 = arith.constant 9.99999974E-6 : f32
    %add3A_54 = vector.broadcast %add3A_53 : f32 to vector<50x1xf32>
    %add3A_55 = arith.addf %div3A_52, %add3A_54 : vector<50x1xf32>
    %rsqrt3A_56 = math.rsqrt %add3A_55 : vector<50x1xf32>
    %mul3A_57 = vector.broadcast %rsqrt3A_56 : vector<50x1xf32> to vector<50x768xf32>
    %mul3A_58 = arith.mulf %sub3A_45, %mul3A_57 : vector<50x768xf32>
    %mul3A_59 = vector.broadcast %get3A_4 : vector<1x768xf32> to vector<50x768xf32>
    %mul3A_60 = arith.mulf %mul3A_58, %mul3A_59 : vector<50x768xf32>
    %add3A_61 = vector.broadcast %get3A_7 : vector<1x768xf32> to vector<50x768xf32>
    %add3A_62 = arith.addf %mul3A_60, %add3A_61 : vector<50x768xf32>
    %swap3A_63 = arith.constant 50 : index
    %swap3A_64 = arith.constant 0 : index
    %swap3A_65 = vector.load %arg4[%swap3A_63, %swap3A_64] : memref<300x768xf32, #tpu.memory_space<vmem>>, vector<50x768xf32>
    tpu.vector_store %arg4[%swap3A_63, %swap3A_64], %add3A_62 {strides = array<i32>} : memref<300x768xf32, #tpu.memory_space<vmem>>, vector<50x768xf32>,
    %get3A_66 = arith.constant 2 : index
    %get3A_67 = arith.constant 0 : index
    %get3A_68 = vector.load %arg0[%get3A_66, %get3A_67] : memref<6x768xf32, #tpu.memory_space<vmem>>, vector<1x768xf32>
    %add3A_69 = vector.broadcast %get3A_68 : vector<1x768xf32> to vector<50x768xf32>
    %add3A_70 = arith.addf %add3A_69, %get3A_1 : vector<50x768xf32>
    %reduce_sum3A_71 = arith.constant dense<0.000000e+00> : vector<50xf32>
    %reduce_sum3A_72 = vector.multi_reduction <add>, %add3A_70, %reduce_sum3A_71 [1] : vector<50x768xf32> to vector<50xf32>
    %broadcast_in_dim3A_73 = vector.shape_cast %reduce_sum3A_72 : vector<50xf32> to vector<50x1xf32>
    %div3A_74 = arith.constant 7.680000e+02 : f32
    %div3A_75 = vector.broadcast %div3A_74 : f32 to vector<50x1xf32>
    %div3A_76 = arith.divf %broadcast_in_dim3A_73, %div3A_75 : vector<50x1xf32>
    %sub3A_77 = vector.broadcast %div3A_76 : vector<50x1xf32> to vector<50x768xf32>
    %sub3A_78 = arith.subf %add3A_70, %sub3A_77 : vector<50x768xf32>
    %mul3A_79 = arith.mulf %sub3A_78, %sub3A_78 : vector<50x768xf32>
    %reduce_sum3A_80 = arith.constant dense<0.000000e+00> : vector<50xf32>
    %reduce_sum3A_81 = vector.multi_reduction <add>, %mul3A_79, %reduce_sum3A_80 [1] : vector<50x768xf32> to vector<50xf32>
    %broadcast_in_dim3A_82 = vector.shape_cast %reduce_sum3A_81 : vector<50xf32> to vector<50x1xf32>
    %div3A_83 = arith.constant 7.680000e+02 : f32
    %div3A_84 = vector.broadcast %div3A_83 : f32 to vector<50x1xf32>
    %div3A_85 = arith.divf %broadcast_in_dim3A_82, %div3A_84 : vector<50x1xf32>
    %add3A_86 = arith.constant 9.99999974E-6 : f32
    %add3A_87 = vector.broadcast %add3A_86 : f32 to vector<50x1xf32>
    %add3A_88 = arith.addf %div3A_85, %add3A_87 : vector<50x1xf32>
    %rsqrt3A_89 = math.rsqrt %add3A_88 : vector<50x1xf32>
    %mul3A_90 = vector.broadcast %rsqrt3A_89 : vector<50x1xf32> to vector<50x768xf32>
    %mul3A_91 = arith.mulf %sub3A_78, %mul3A_90 : vector<50x768xf32>
    %mul3A_92 = vector.broadcast %get3A_4 : vector<1x768xf32> to vector<50x768xf32>
    %mul3A_93 = arith.mulf %mul3A_91, %mul3A_92 : vector<50x768xf32>
    %add3A_94 = vector.broadcast %get3A_7 : vector<1x768xf32> to vector<50x768xf32>
    %add3A_95 = arith.addf %mul3A_93, %add3A_94 : vector<50x768xf32>
    %swap3A_96 = arith.constant 100 : index
    %swap3A_97 = arith.constant 0 : index
    %swap3A_98 = vector.load %arg4[%swap3A_96, %swap3A_97] : memref<300x768xf32, #tpu.memory_space<vmem>>, vector<50x768xf32>
    tpu.vector_store %arg4[%swap3A_96, %swap3A_97], %add3A_95 {strides = array<i32>} : memref<300x768xf32, #tpu.memory_space<vmem>>, vector<50x768xf32>,
    %get3A_99 = arith.constant 3 : index
    %get3A_100 = arith.constant 0 : index
    %get3A_101 = vector.load %arg0[%get3A_99, %get3A_100] : memref<6x768xf32, #tpu.memory_space<vmem>>, vector<1x768xf32>
    %add3A_102 = vector.broadcast %get3A_101 : vector<1x768xf32> to vector<50x768xf32>
    %add3A_103 = arith.addf %add3A_102, %get3A_1 : vector<50x768xf32>
    %reduce_sum3A_104 = arith.constant dense<0.000000e+00> : vector<50xf32>
    %reduce_sum3A_105 = vector.multi_reduction <add>, %add3A_103, %reduce_sum3A_104 [1] : vector<50x768xf32> to vector<50xf32>
    %broadcast_in_dim3A_106 = vector.shape_cast %reduce_sum3A_105 : vector<50xf32> to vector<50x1xf32>
    %div3A_107 = arith.constant 7.680000e+02 : f32
    %div3A_108 = vector.broadcast %div3A_107 : f32 to vector<50x1xf32>
    %div3A_109 = arith.divf %broadcast_in_dim3A_106, %div3A_108 : vector<50x1xf32>
    %sub3A_110 = vector.broadcast %div3A_109 : vector<50x1xf32> to vector<50x768xf32>
    %sub3A_111 = arith.subf %add3A_103, %sub3A_110 : vector<50x768xf32>
    %mul3A_112 = arith.mulf %sub3A_111, %sub3A_111 : vector<50x768xf32>
    %reduce_sum3A_113 = arith.constant dense<0.000000e+00> : vector<50xf32>
    %reduce_sum3A_114 = vector.multi_reduction <add>, %mul3A_112, %reduce_sum3A_113 [1] : vector<50x768xf32> to vector<50xf32>
    %broadcast_in_dim3A_115 = vector.shape_cast %reduce_sum3A_114 : vector<50xf32> to vector<50x1xf32>
    %div3A_116 = arith.constant 7.680000e+02 : f32
    %div3A_117 = vector.broadcast %div3A_116 : f32 to vector<50x1xf32>
    %div3A_118 = arith.divf %broadcast_in_dim3A_115, %div3A_117 : vector<50x1xf32>
    %add3A_119 = arith.constant 9.99999974E-6 : f32
    %add3A_120 = vector.broadcast %add3A_119 : f32 to vector<50x1xf32>
    %add3A_121 = arith.addf %div3A_118, %add3A_120 : vector<50x1xf32>
    %rsqrt3A_122 = math.rsqrt %add3A_121 : vector<50x1xf32>
    %mul3A_123 = vector.broadcast %rsqrt3A_122 : vector<50x1xf32> to vector<50x768xf32>
    %mul3A_124 = arith.mulf %sub3A_111, %mul3A_123 : vector<50x768xf32>
    %mul3A_125 = vector.broadcast %get3A_4 : vector<1x768xf32> to vector<50x768xf32>
    %mul3A_126 = arith.mulf %mul3A_124, %mul3A_125 : vector<50x768xf32>
    %add3A_127 = vector.broadcast %get3A_7 : vector<1x768xf32> to vector<50x768xf32>
    %add3A_128 = arith.addf %mul3A_126, %add3A_127 : vector<50x768xf32>
    %swap3A_129 = arith.constant 150 : index
    %swap3A_130 = arith.constant 0 : index
    %swap3A_131 = vector.load %arg4[%swap3A_129, %swap3A_130] : memref<300x768xf32, #tpu.memory_space<vmem>>, vector<50x768xf32>
    tpu.vector_store %arg4[%swap3A_129, %swap3A_130], %add3A_128 {strides = array<i32>} : memref<300x768xf32, #tpu.memory_space<vmem>>, vector<50x768xf32>,
    %get3A_132 = arith.constant 4 : index
    %get3A_133 = arith.constant 0 : index
    %get3A_134 = vector.load %arg0[%get3A_132, %get3A_133] : memref<6x768xf32, #tpu.memory_space<vmem>>, vector<1x768xf32>
    %add3A_135 = vector.broadcast %get3A_134 : vector<1x768xf32> to vector<50x768xf32>
    %add3A_136 = arith.addf %add3A_135, %get3A_1 : vector<50x768xf32>
    %reduce_sum3A_137 = arith.constant dense<0.000000e+00> : vector<50xf32>
    %reduce_sum3A_138 = vector.multi_reduction <add>, %add3A_136, %reduce_sum3A_137 [1] : vector<50x768xf32> to vector<50xf32>
    %broadcast_in_dim3A_139 = vector.shape_cast %reduce_sum3A_138 : vector<50xf32> to vector<50x1xf32>
    %div3A_140 = arith.constant 7.680000e+02 : f32
    %div3A_141 = vector.broadcast %div3A_140 : f32 to vector<50x1xf32>
    %div3A_142 = arith.divf %broadcast_in_dim3A_139, %div3A_141 : vector<50x1xf32>
    %sub3A_143 = vector.broadcast %div3A_142 : vector<50x1xf32> to vector<50x768xf32>
    %sub3A_144 = arith.subf %add3A_136, %sub3A_143 : vector<50x768xf32>
    %mul3A_145 = arith.mulf %sub3A_144, %sub3A_144 : vector<50x768xf32>
    %reduce_sum3A_146 = arith.constant dense<0.000000e+00> : vector<50xf32>
    %reduce_sum3A_147 = vector.multi_reduction <add>, %mul3A_145, %reduce_sum3A_146 [1] : vector<50x768xf32> to vector<50xf32>
    %broadcast_in_dim3A_148 = vector.shape_cast %reduce_sum3A_147 : vector<50xf32> to vector<50x1xf32>
    %div3A_149 = arith.constant 7.680000e+02 : f32
    %div3A_150 = vector.broadcast %div3A_149 : f32 to vector<50x1xf32>
    %div3A_151 = arith.divf %broadcast_in_dim3A_148, %div3A_150 : vector<50x1xf32>
    %add3A_152 = arith.constant 9.99999974E-6 : f32
    %add3A_153 = vector.broadcast %add3A_152 : f32 to vector<50x1xf32>
    %add3A_154 = arith.addf %div3A_151, %add3A_153 : vector<50x1xf32>
    %rsqrt3A_155 = math.rsqrt %add3A_154 : vector<50x1xf32>
    %mul3A_156 = vector.broadcast %rsqrt3A_155 : vector<50x1xf32> to vector<50x768xf32>
    %mul3A_157 = arith.mulf %sub3A_144, %mul3A_156 : vector<50x768xf32>
    %mul3A_158 = vector.broadcast %get3A_4 : vector<1x768xf32> to vector<50x768xf32>
    %mul3A_159 = arith.mulf %mul3A_157, %mul3A_158 : vector<50x768xf32>
    %add3A_160 = vector.broadcast %get3A_7 : vector<1x768xf32> to vector<50x768xf32>
    %add3A_161 = arith.addf %mul3A_159, %add3A_160 : vector<50x768xf32>
    %swap3A_162 = arith.constant 200 : index
    %swap3A_163 = arith.constant 0 : index
    %swap3A_164 = vector.load %arg4[%swap3A_162, %swap3A_163] : memref<300x768xf32, #tpu.memory_space<vmem>>, vector<50x768xf32>
    tpu.vector_store %arg4[%swap3A_162, %swap3A_163], %add3A_161 {strides = array<i32>} : memref<300x768xf32, #tpu.memory_space<vmem>>, vector<50x768xf32>,
    %get3A_165 = arith.constant 5 : index
    %get3A_166 = arith.constant 0 : index
    %get3A_167 = vector.load %arg0[%get3A_165, %get3A_166] : memref<6x768xf32, #tpu.memory_space<vmem>>, vector<1x768xf32>
    %add3A_168 = vector.broadcast %get3A_167 : vector<1x768xf32> to vector<50x768xf32>
    %add3A_169 = arith.addf %add3A_168, %get3A_1 : vector<50x768xf32>
    %reduce_sum3A_170 = arith.constant dense<0.000000e+00> : vector<50xf32>
    %reduce_sum3A_171 = vector.multi_reduction <add>, %add3A_169, %reduce_sum3A_170 [1] : vector<50x768xf32> to vector<50xf32>
    %broadcast_in_dim3A_172 = vector.shape_cast %reduce_sum3A_171 : vector<50xf32> to vector<50x1xf32>
    %div3A_173 = arith.constant 7.680000e+02 : f32
    %div3A_174 = vector.broadcast %div3A_173 : f32 to vector<50x1xf32>
    %div3A_175 = arith.divf %broadcast_in_dim3A_172, %div3A_174 : vector<50x1xf32>
    %sub3A_176 = vector.broadcast %div3A_175 : vector<50x1xf32> to vector<50x768xf32>
    %sub3A_177 = arith.subf %add3A_169, %sub3A_176 : vector<50x768xf32>
    %mul3A_178 = arith.mulf %sub3A_177, %sub3A_177 : vector<50x768xf32>
    %reduce_sum3A_179 = arith.constant dense<0.000000e+00> : vector<50xf32>
    %reduce_sum3A_180 = vector.multi_reduction <add>, %mul3A_178, %reduce_sum3A_179 [1] : vector<50x768xf32> to vector<50xf32>
    %broadcast_in_dim3A_181 = vector.shape_cast %reduce_sum3A_180 : vector<50xf32> to vector<50x1xf32>
    %div3A_182 = arith.constant 7.680000e+02 : f32
    %div3A_183 = vector.broadcast %div3A_182 : f32 to vector<50x1xf32>
    %div3A_184 = arith.divf %broadcast_in_dim3A_181, %div3A_183 : vector<50x1xf32>
    %add3A_185 = arith.constant 9.99999974E-6 : f32
    %add3A_186 = vector.broadcast %add3A_185 : f32 to vector<50x1xf32>
    %add3A_187 = arith.addf %div3A_184, %add3A_186 : vector<50x1xf32>
    %rsqrt3A_188 = math.rsqrt %add3A_187 : vector<50x1xf32>
    %mul3A_189 = vector.broadcast %rsqrt3A_188 : vector<50x1xf32> to vector<50x768xf32>
    %mul3A_190 = arith.mulf %sub3A_177, %mul3A_189 : vector<50x768xf32>
    %mul3A_191 = vector.broadcast %get3A_4 : vector<1x768xf32> to vector<50x768xf32>
    %mul3A_192 = arith.mulf %mul3A_190, %mul3A_191 : vector<50x768xf32>
    %add3A_193 = vector.broadcast %get3A_7 : vector<1x768xf32> to vector<50x768xf32>
    %add3A_194 = arith.addf %mul3A_192, %add3A_193 : vector<50x768xf32>
    %swap3A_195 = arith.constant 250 : index
    %swap3A_196 = arith.constant 0 : index
    %swap3A_197 = vector.load %arg4[%swap3A_195, %swap3A_196] : memref<300x768xf32, #tpu.memory_space<vmem>>, vector<50x768xf32>
    tpu.vector_store %arg4[%swap3A_195, %swap3A_196], %add3A_194 {strides = array<i32>} : memref<300x768xf32, #tpu.memory_space<vmem>>, vector<50x768xf32>,
    return
  }
}

module attributes {stable_mosaic.version = 14 : i64} {
  func.func @_tail_body(%arg0: i32, %arg1: memref<256x2x1xi32, #tpu.memory_space<vmem>>, %arg2: memref<6x768xf32, #tpu.memory_space<vmem>>, %arg3: memref<2x768xf32, #tpu.memory_space<vmem>>, %arg4: memref<1x768xf32, #tpu.memory_space<vmem>>, %arg5: memref<1x768xf32, #tpu.memory_space<vmem>>, %arg6: memref<16384x50x768xf32, #tpu.memory_space<hbm>>, %arg7: memref<16384x50x768xf32, #tpu.memory_space<any>>, %arg8: memref<256x2x768xf32, #tpu.memory_space<vmem>>, %arg9: memref<!tpu.dma_semaphore, #tpu.memory_space<semaphore_mem>>) attributes {dimension_semantics = [#tpu.dimension_semantics<arbitrary>], iteration_bounds = array<i64: 64>, scalar_prefetch = 0 : i64, scratch_operands = 2 : i64, tpu.core_type = #tpu.core_type<tc>, window_params = [{transform_indices = @transform_0, window_bounds = array<i64: 256, 2, 1>}, {pipeline_mode = #tpu.pipeline_mode<synchronous>, transform_indices = @transform_1, window_bounds = array<i64: 6, 768>}, {pipeline_mode = #tpu.pipeline_mode<synchronous>, transform_indices = @transform_2, window_bounds = array<i64: 2, 768>}, {pipeline_mode = #tpu.pipeline_mode<synchronous>, transform_indices = @transform_3, window_bounds = array<i64: 1, 768>}, {pipeline_mode = #tpu.pipeline_mode<synchronous>, transform_indices = @transform_4, window_bounds = array<i64: 1, 768>}, {}, {}]} {
    %get3A = arith.constant 0 : index
    %get3A_0 = arith.constant 0 : index
    %get3A_1 = vector.load %arg3[%get3A, %get3A_0] : memref<2x768xf32, #tpu.memory_space<vmem>>, vector<2x768xf32>
    %get3A_2 = arith.constant 0 : index
    %get3A_3 = arith.constant 0 : index
    %get3A_4 = vector.load %arg4[%get3A_2, %get3A_3] : memref<1x768xf32, #tpu.memory_space<vmem>>, vector<1x768xf32>
    %get3A_5 = arith.constant 0 : index
    %get3A_6 = arith.constant 0 : index
    %get3A_7 = vector.load %arg5[%get3A_5, %get3A_6] : memref<1x768xf32, #tpu.memory_space<vmem>>, vector<1x768xf32>
    %get3A_8 = arith.constant 0 : index
    %get3A_9 = arith.constant 0 : index
    %get3A_10 = arith.constant 0 : index
    %get3A_11 = vector.load %arg1[%get3A_8, %get3A_9, %get3A_10] : memref<256x2x1xi32, #tpu.memory_space<vmem>>, vector<256x2x1xi32>
    %get3A_12 = arith.constant 0 : index
    %get3A_13 = arith.constant 0 : index
    %get3A_14 = vector.load %arg2[%get3A_12, %get3A_13] : memref<6x768xf32, #tpu.memory_space<vmem>>, vector<1x768xf32>
    %add3A = vector.broadcast %get3A_14 : vector<1x768xf32> to vector<2x768xf32>
    %add3A_15 = arith.addf %add3A, %get3A_1 : vector<2x768xf32>
    %reduce_sum3A = arith.constant dense<0.000000e+00> : vector<2xf32>
    %reduce_sum3A_16 = vector.multi_reduction <add>, %add3A_15, %reduce_sum3A [1] : vector<2x768xf32> to vector<2xf32>
    %broadcast_in_dim3A = vector.shape_cast %reduce_sum3A_16 : vector<2xf32> to vector<2x1xf32>
    %div3A = arith.constant 7.680000e+02 : f32
    %div3A_17 = vector.broadcast %div3A : f32 to vector<2x1xf32>
    %div3A_18 = arith.divf %broadcast_in_dim3A, %div3A_17 : vector<2x1xf32>
    %sub3A = vector.broadcast %div3A_18 : vector<2x1xf32> to vector<2x768xf32>
    %sub3A_19 = arith.subf %add3A_15, %sub3A : vector<2x768xf32>
    %mul3A = arith.mulf %sub3A_19, %sub3A_19 : vector<2x768xf32>
    %reduce_sum3A_20 = arith.constant dense<0.000000e+00> : vector<2xf32>
    %reduce_sum3A_21 = vector.multi_reduction <add>, %mul3A, %reduce_sum3A_20 [1] : vector<2x768xf32> to vector<2xf32>
    %broadcast_in_dim3A_22 = vector.shape_cast %reduce_sum3A_21 : vector<2xf32> to vector<2x1xf32>
    %div3A_23 = arith.constant 7.680000e+02 : f32
    %div3A_24 = vector.broadcast %div3A_23 : f32 to vector<2x1xf32>
    %div3A_25 = arith.divf %broadcast_in_dim3A_22, %div3A_24 : vector<2x1xf32>
    %add3A_26 = arith.constant 9.99999974E-6 : f32
    %add3A_27 = vector.broadcast %add3A_26 : f32 to vector<2x1xf32>
    %add3A_28 = arith.addf %div3A_25, %add3A_27 : vector<2x1xf32>
    %rsqrt3A = math.rsqrt %add3A_28 : vector<2x1xf32>
    %mul3A_29 = vector.broadcast %rsqrt3A : vector<2x1xf32> to vector<2x768xf32>
    %mul3A_30 = arith.mulf %sub3A_19, %mul3A_29 : vector<2x768xf32>
    %mul3A_31 = vector.broadcast %get3A_4 : vector<1x768xf32> to vector<2x768xf32>
    %mul3A_32 = arith.mulf %mul3A_30, %mul3A_31 : vector<2x768xf32>
    %add3A_33 = vector.broadcast %get3A_7 : vector<1x768xf32> to vector<2x768xf32>
    %add3A_34 = arith.addf %mul3A_32, %add3A_33 : vector<2x768xf32>
    %broadcast_in_dim3A_35 = vector.shape_cast %add3A_34 : vector<2x768xf32> to vector<1x2x768xf32>
    %broadcast_in_dim3A_36 = vector.shape_cast %broadcast_in_dim3A_35 : vector<1x2x768xf32> to vector<1x2x768xf32>
    %broadcast_in_dim3A_37 = vector.broadcast %broadcast_in_dim3A_36 : vector<1x2x768xf32> to vector<256x2x768xf32>
    %get3A_38 = arith.constant 1 : index
    %get3A_39 = arith.constant 0 : index
    %get3A_40 = vector.load %arg2[%get3A_38, %get3A_39] : memref<6x768xf32, #tpu.memory_space<vmem>>, vector<1x768xf32>
    %add3A_41 = vector.broadcast %get3A_40 : vector<1x768xf32> to vector<2x768xf32>
    %add3A_42 = arith.addf %add3A_41, %get3A_1 : vector<2x768xf32>
    %reduce_sum3A_43 = arith.constant dense<0.000000e+00> : vector<2xf32>
    %reduce_sum3A_44 = vector.multi_reduction <add>, %add3A_42, %reduce_sum3A_43 [1] : vector<2x768xf32> to vector<2xf32>
    %broadcast_in_dim3A_45 = vector.shape_cast %reduce_sum3A_44 : vector<2xf32> to vector<2x1xf32>
    %div3A_46 = arith.constant 7.680000e+02 : f32
    %div3A_47 = vector.broadcast %div3A_46 : f32 to vector<2x1xf32>
    %div3A_48 = arith.divf %broadcast_in_dim3A_45, %div3A_47 : vector<2x1xf32>
    %sub3A_49 = vector.broadcast %div3A_48 : vector<2x1xf32> to vector<2x768xf32>
    %sub3A_50 = arith.subf %add3A_42, %sub3A_49 : vector<2x768xf32>
    %mul3A_51 = arith.mulf %sub3A_50, %sub3A_50 : vector<2x768xf32>
    %reduce_sum3A_52 = arith.constant dense<0.000000e+00> : vector<2xf32>
    %reduce_sum3A_53 = vector.multi_reduction <add>, %mul3A_51, %reduce_sum3A_52 [1] : vector<2x768xf32> to vector<2xf32>
    %broadcast_in_dim3A_54 = vector.shape_cast %reduce_sum3A_53 : vector<2xf32> to vector<2x1xf32>
    %div3A_55 = arith.constant 7.680000e+02 : f32
    %div3A_56 = vector.broadcast %div3A_55 : f32 to vector<2x1xf32>
    %div3A_57 = arith.divf %broadcast_in_dim3A_54, %div3A_56 : vector<2x1xf32>
    %add3A_58 = arith.constant 9.99999974E-6 : f32
    %add3A_59 = vector.broadcast %add3A_58 : f32 to vector<2x1xf32>
    %add3A_60 = arith.addf %div3A_57, %add3A_59 : vector<2x1xf32>
    %rsqrt3A_61 = math.rsqrt %add3A_60 : vector<2x1xf32>
    %mul3A_62 = vector.broadcast %rsqrt3A_61 : vector<2x1xf32> to vector<2x768xf32>
    %mul3A_63 = arith.mulf %sub3A_50, %mul3A_62 : vector<2x768xf32>
    %mul3A_64 = vector.broadcast %get3A_4 : vector<1x768xf32> to vector<2x768xf32>
    %mul3A_65 = arith.mulf %mul3A_63, %mul3A_64 : vector<2x768xf32>
    %add3A_66 = vector.broadcast %get3A_7 : vector<1x768xf32> to vector<2x768xf32>
    %add3A_67 = arith.addf %mul3A_65, %add3A_66 : vector<2x768xf32>
    %eq3A = arith.constant 1 : i32
    %eq3A_68 = vector.broadcast %eq3A : i32 to vector<256x2x1xi32>
    %eq3A_69 = arith.cmpi eq, %get3A_11, %eq3A_68 : vector<256x2x1xi32>
    %broadcast_in_dim3A_70 = vector.shape_cast %add3A_67 : vector<2x768xf32> to vector<1x2x768xf32>
    %broadcast_in_dim3A_71 = vector.shape_cast %eq3A_69 : vector<256x2x1xi1> to vector<256x2x1xi1>
    %broadcast_in_dim3A_72 = vector.broadcast %broadcast_in_dim3A_71 : vector<256x2x1xi1> to vector<256x2x768xi1>
    %broadcast_in_dim3A_73 = vector.shape_cast %broadcast_in_dim3A_70 : vector<1x2x768xf32> to vector<1x2x768xf32>
    %broadcast_in_dim3A_74 = vector.broadcast %broadcast_in_dim3A_73 : vector<1x2x768xf32> to vector<256x2x768xf32>
    %select_n3A = arith.select %broadcast_in_dim3A_72, %broadcast_in_dim3A_74, %broadcast_in_dim3A_37 : vector<256x2x768xi1>, vector<256x2x768xf32>
    %get3A_75 = arith.constant 2 : index
    %get3A_76 = arith.constant 0 : index
    %get3A_77 = vector.load %arg2[%get3A_75, %get3A_76] : memref<6x768xf32, #tpu.memory_space<vmem>>, vector<1x768xf32>
    %add3A_78 = vector.broadcast %get3A_77 : vector<1x768xf32> to vector<2x768xf32>
    %add3A_79 = arith.addf %add3A_78, %get3A_1 : vector<2x768xf32>
    %reduce_sum3A_80 = arith.constant dense<0.000000e+00> : vector<2xf32>
    %reduce_sum3A_81 = vector.multi_reduction <add>, %add3A_79, %reduce_sum3A_80 [1] : vector<2x768xf32> to vector<2xf32>
    %broadcast_in_dim3A_82 = vector.shape_cast %reduce_sum3A_81 : vector<2xf32> to vector<2x1xf32>
    %div3A_83 = arith.constant 7.680000e+02 : f32
    %div3A_84 = vector.broadcast %div3A_83 : f32 to vector<2x1xf32>
    %div3A_85 = arith.divf %broadcast_in_dim3A_82, %div3A_84 : vector<2x1xf32>
    %sub3A_86 = vector.broadcast %div3A_85 : vector<2x1xf32> to vector<2x768xf32>
    %sub3A_87 = arith.subf %add3A_79, %sub3A_86 : vector<2x768xf32>
    %mul3A_88 = arith.mulf %sub3A_87, %sub3A_87 : vector<2x768xf32>
    %reduce_sum3A_89 = arith.constant dense<0.000000e+00> : vector<2xf32>
    %reduce_sum3A_90 = vector.multi_reduction <add>, %mul3A_88, %reduce_sum3A_89 [1] : vector<2x768xf32> to vector<2xf32>
    %broadcast_in_dim3A_91 = vector.shape_cast %reduce_sum3A_90 : vector<2xf32> to vector<2x1xf32>
    %div3A_92 = arith.constant 7.680000e+02 : f32
    %div3A_93 = vector.broadcast %div3A_92 : f32 to vector<2x1xf32>
    %div3A_94 = arith.divf %broadcast_in_dim3A_91, %div3A_93 : vector<2x1xf32>
    %add3A_95 = arith.constant 9.99999974E-6 : f32
    %add3A_96 = vector.broadcast %add3A_95 : f32 to vector<2x1xf32>
    %add3A_97 = arith.addf %div3A_94, %add3A_96 : vector<2x1xf32>
    %rsqrt3A_98 = math.rsqrt %add3A_97 : vector<2x1xf32>
    %mul3A_99 = vector.broadcast %rsqrt3A_98 : vector<2x1xf32> to vector<2x768xf32>
    %mul3A_100 = arith.mulf %sub3A_87, %mul3A_99 : vector<2x768xf32>
    %mul3A_101 = vector.broadcast %get3A_4 : vector<1x768xf32> to vector<2x768xf32>
    %mul3A_102 = arith.mulf %mul3A_100, %mul3A_101 : vector<2x768xf32>
    %add3A_103 = vector.broadcast %get3A_7 : vector<1x768xf32> to vector<2x768xf32>
    %add3A_104 = arith.addf %mul3A_102, %add3A_103 : vector<2x768xf32>
    %eq3A_105 = arith.constant 2 : i32
    %eq3A_106 = vector.broadcast %eq3A_105 : i32 to vector<256x2x1xi32>
    %eq3A_107 = arith.cmpi eq, %get3A_11, %eq3A_106 : vector<256x2x1xi32>
    %broadcast_in_dim3A_108 = vector.shape_cast %add3A_104 : vector<2x768xf32> to vector<1x2x768xf32>
    %broadcast_in_dim3A_109 = vector.shape_cast %eq3A_107 : vector<256x2x1xi1> to vector<256x2x1xi1>
    %broadcast_in_dim3A_110 = vector.broadcast %broadcast_in_dim3A_109 : vector<256x2x1xi1> to vector<256x2x768xi1>
    %broadcast_in_dim3A_111 = vector.shape_cast %broadcast_in_dim3A_108 : vector<1x2x768xf32> to vector<1x2x768xf32>
    %broadcast_in_dim3A_112 = vector.broadcast %broadcast_in_dim3A_111 : vector<1x2x768xf32> to vector<256x2x768xf32>
    %select_n3A_113 = arith.select %broadcast_in_dim3A_110, %broadcast_in_dim3A_112, %select_n3A : vector<256x2x768xi1>, vector<256x2x768xf32>
    %get3A_114 = arith.constant 3 : index
    %get3A_115 = arith.constant 0 : index
    %get3A_116 = vector.load %arg2[%get3A_114, %get3A_115] : memref<6x768xf32, #tpu.memory_space<vmem>>, vector<1x768xf32>
    %add3A_117 = vector.broadcast %get3A_116 : vector<1x768xf32> to vector<2x768xf32>
    %add3A_118 = arith.addf %add3A_117, %get3A_1 : vector<2x768xf32>
    %reduce_sum3A_119 = arith.constant dense<0.000000e+00> : vector<2xf32>
    %reduce_sum3A_120 = vector.multi_reduction <add>, %add3A_118, %reduce_sum3A_119 [1] : vector<2x768xf32> to vector<2xf32>
    %broadcast_in_dim3A_121 = vector.shape_cast %reduce_sum3A_120 : vector<2xf32> to vector<2x1xf32>
    %div3A_122 = arith.constant 7.680000e+02 : f32
    %div3A_123 = vector.broadcast %div3A_122 : f32 to vector<2x1xf32>
    %div3A_124 = arith.divf %broadcast_in_dim3A_121, %div3A_123 : vector<2x1xf32>
    %sub3A_125 = vector.broadcast %div3A_124 : vector<2x1xf32> to vector<2x768xf32>
    %sub3A_126 = arith.subf %add3A_118, %sub3A_125 : vector<2x768xf32>
    %mul3A_127 = arith.mulf %sub3A_126, %sub3A_126 : vector<2x768xf32>
    %reduce_sum3A_128 = arith.constant dense<0.000000e+00> : vector<2xf32>
    %reduce_sum3A_129 = vector.multi_reduction <add>, %mul3A_127, %reduce_sum3A_128 [1] : vector<2x768xf32> to vector<2xf32>
    %broadcast_in_dim3A_130 = vector.shape_cast %reduce_sum3A_129 : vector<2xf32> to vector<2x1xf32>
    %div3A_131 = arith.constant 7.680000e+02 : f32
    %div3A_132 = vector.broadcast %div3A_131 : f32 to vector<2x1xf32>
    %div3A_133 = arith.divf %broadcast_in_dim3A_130, %div3A_132 : vector<2x1xf32>
    %add3A_134 = arith.constant 9.99999974E-6 : f32
    %add3A_135 = vector.broadcast %add3A_134 : f32 to vector<2x1xf32>
    %add3A_136 = arith.addf %div3A_133, %add3A_135 : vector<2x1xf32>
    %rsqrt3A_137 = math.rsqrt %add3A_136 : vector<2x1xf32>
    %mul3A_138 = vector.broadcast %rsqrt3A_137 : vector<2x1xf32> to vector<2x768xf32>
    %mul3A_139 = arith.mulf %sub3A_126, %mul3A_138 : vector<2x768xf32>
    %mul3A_140 = vector.broadcast %get3A_4 : vector<1x768xf32> to vector<2x768xf32>
    %mul3A_141 = arith.mulf %mul3A_139, %mul3A_140 : vector<2x768xf32>
    %add3A_142 = vector.broadcast %get3A_7 : vector<1x768xf32> to vector<2x768xf32>
    %add3A_143 = arith.addf %mul3A_141, %add3A_142 : vector<2x768xf32>
    %eq3A_144 = arith.constant 3 : i32
    %eq3A_145 = vector.broadcast %eq3A_144 : i32 to vector<256x2x1xi32>
    %eq3A_146 = arith.cmpi eq, %get3A_11, %eq3A_145 : vector<256x2x1xi32>
    %broadcast_in_dim3A_147 = vector.shape_cast %add3A_143 : vector<2x768xf32> to vector<1x2x768xf32>
    %broadcast_in_dim3A_148 = vector.shape_cast %eq3A_146 : vector<256x2x1xi1> to vector<256x2x1xi1>
    %broadcast_in_dim3A_149 = vector.broadcast %broadcast_in_dim3A_148 : vector<256x2x1xi1> to vector<256x2x768xi1>
    %broadcast_in_dim3A_150 = vector.shape_cast %broadcast_in_dim3A_147 : vector<1x2x768xf32> to vector<1x2x768xf32>
    %broadcast_in_dim3A_151 = vector.broadcast %broadcast_in_dim3A_150 : vector<1x2x768xf32> to vector<256x2x768xf32>
    %select_n3A_152 = arith.select %broadcast_in_dim3A_149, %broadcast_in_dim3A_151, %select_n3A_113 : vector<256x2x768xi1>, vector<256x2x768xf32>
    %get3A_153 = arith.constant 4 : index
    %get3A_154 = arith.constant 0 : index
    %get3A_155 = vector.load %arg2[%get3A_153, %get3A_154] : memref<6x768xf32, #tpu.memory_space<vmem>>, vector<1x768xf32>
    %add3A_156 = vector.broadcast %get3A_155 : vector<1x768xf32> to vector<2x768xf32>
    %add3A_157 = arith.addf %add3A_156, %get3A_1 : vector<2x768xf32>
    %reduce_sum3A_158 = arith.constant dense<0.000000e+00> : vector<2xf32>
    %reduce_sum3A_159 = vector.multi_reduction <add>, %add3A_157, %reduce_sum3A_158 [1] : vector<2x768xf32> to vector<2xf32>
    %broadcast_in_dim3A_160 = vector.shape_cast %reduce_sum3A_159 : vector<2xf32> to vector<2x1xf32>
    %div3A_161 = arith.constant 7.680000e+02 : f32
    %div3A_162 = vector.broadcast %div3A_161 : f32 to vector<2x1xf32>
    %div3A_163 = arith.divf %broadcast_in_dim3A_160, %div3A_162 : vector<2x1xf32>
    %sub3A_164 = vector.broadcast %div3A_163 : vector<2x1xf32> to vector<2x768xf32>
    %sub3A_165 = arith.subf %add3A_157, %sub3A_164 : vector<2x768xf32>
    %mul3A_166 = arith.mulf %sub3A_165, %sub3A_165 : vector<2x768xf32>
    %reduce_sum3A_167 = arith.constant dense<0.000000e+00> : vector<2xf32>
    %reduce_sum3A_168 = vector.multi_reduction <add>, %mul3A_166, %reduce_sum3A_167 [1] : vector<2x768xf32> to vector<2xf32>
    %broadcast_in_dim3A_169 = vector.shape_cast %reduce_sum3A_168 : vector<2xf32> to vector<2x1xf32>
    %div3A_170 = arith.constant 7.680000e+02 : f32
    %div3A_171 = vector.broadcast %div3A_170 : f32 to vector<2x1xf32>
    %div3A_172 = arith.divf %broadcast_in_dim3A_169, %div3A_171 : vector<2x1xf32>
    %add3A_173 = arith.constant 9.99999974E-6 : f32
    %add3A_174 = vector.broadcast %add3A_173 : f32 to vector<2x1xf32>
    %add3A_175 = arith.addf %div3A_172, %add3A_174 : vector<2x1xf32>
    %rsqrt3A_176 = math.rsqrt %add3A_175 : vector<2x1xf32>
    %mul3A_177 = vector.broadcast %rsqrt3A_176 : vector<2x1xf32> to vector<2x768xf32>
    %mul3A_178 = arith.mulf %sub3A_165, %mul3A_177 : vector<2x768xf32>
    %mul3A_179 = vector.broadcast %get3A_4 : vector<1x768xf32> to vector<2x768xf32>
    %mul3A_180 = arith.mulf %mul3A_178, %mul3A_179 : vector<2x768xf32>
    %add3A_181 = vector.broadcast %get3A_7 : vector<1x768xf32> to vector<2x768xf32>
    %add3A_182 = arith.addf %mul3A_180, %add3A_181 : vector<2x768xf32>
    %eq3A_183 = arith.constant 4 : i32
    %eq3A_184 = vector.broadcast %eq3A_183 : i32 to vector<256x2x1xi32>
    %eq3A_185 = arith.cmpi eq, %get3A_11, %eq3A_184 : vector<256x2x1xi32>
    %broadcast_in_dim3A_186 = vector.shape_cast %add3A_182 : vector<2x768xf32> to vector<1x2x768xf32>
    %broadcast_in_dim3A_187 = vector.shape_cast %eq3A_185 : vector<256x2x1xi1> to vector<256x2x1xi1>
    %broadcast_in_dim3A_188 = vector.broadcast %broadcast_in_dim3A_187 : vector<256x2x1xi1> to vector<256x2x768xi1>
    %broadcast_in_dim3A_189 = vector.shape_cast %broadcast_in_dim3A_186 : vector<1x2x768xf32> to vector<1x2x768xf32>
    %broadcast_in_dim3A_190 = vector.broadcast %broadcast_in_dim3A_189 : vector<1x2x768xf32> to vector<256x2x768xf32>
    %select_n3A_191 = arith.select %broadcast_in_dim3A_188, %broadcast_in_dim3A_190, %select_n3A_152 : vector<256x2x768xi1>, vector<256x2x768xf32>
    %get3A_192 = arith.constant 5 : index
    %get3A_193 = arith.constant 0 : index
    %get3A_194 = vector.load %arg2[%get3A_192, %get3A_193] : memref<6x768xf32, #tpu.memory_space<vmem>>, vector<1x768xf32>
    %add3A_195 = vector.broadcast %get3A_194 : vector<1x768xf32> to vector<2x768xf32>
    %add3A_196 = arith.addf %add3A_195, %get3A_1 : vector<2x768xf32>
    %reduce_sum3A_197 = arith.constant dense<0.000000e+00> : vector<2xf32>
    %reduce_sum3A_198 = vector.multi_reduction <add>, %add3A_196, %reduce_sum3A_197 [1] : vector<2x768xf32> to vector<2xf32>
    %broadcast_in_dim3A_199 = vector.shape_cast %reduce_sum3A_198 : vector<2xf32> to vector<2x1xf32>
    %div3A_200 = arith.constant 7.680000e+02 : f32
    %div3A_201 = vector.broadcast %div3A_200 : f32 to vector<2x1xf32>
    %div3A_202 = arith.divf %broadcast_in_dim3A_199, %div3A_201 : vector<2x1xf32>
    %sub3A_203 = vector.broadcast %div3A_202 : vector<2x1xf32> to vector<2x768xf32>
    %sub3A_204 = arith.subf %add3A_196, %sub3A_203 : vector<2x768xf32>
    %mul3A_205 = arith.mulf %sub3A_204, %sub3A_204 : vector<2x768xf32>
    %reduce_sum3A_206 = arith.constant dense<0.000000e+00> : vector<2xf32>
    %reduce_sum3A_207 = vector.multi_reduction <add>, %mul3A_205, %reduce_sum3A_206 [1] : vector<2x768xf32> to vector<2xf32>
    %broadcast_in_dim3A_208 = vector.shape_cast %reduce_sum3A_207 : vector<2xf32> to vector<2x1xf32>
    %div3A_209 = arith.constant 7.680000e+02 : f32
    %div3A_210 = vector.broadcast %div3A_209 : f32 to vector<2x1xf32>
    %div3A_211 = arith.divf %broadcast_in_dim3A_208, %div3A_210 : vector<2x1xf32>
    %add3A_212 = arith.constant 9.99999974E-6 : f32
    %add3A_213 = vector.broadcast %add3A_212 : f32 to vector<2x1xf32>
    %add3A_214 = arith.addf %div3A_211, %add3A_213 : vector<2x1xf32>
    %rsqrt3A_215 = math.rsqrt %add3A_214 : vector<2x1xf32>
    %mul3A_216 = vector.broadcast %rsqrt3A_215 : vector<2x1xf32> to vector<2x768xf32>
    %mul3A_217 = arith.mulf %sub3A_204, %mul3A_216 : vector<2x768xf32>
    %mul3A_218 = vector.broadcast %get3A_4 : vector<1x768xf32> to vector<2x768xf32>
    %mul3A_219 = arith.mulf %mul3A_217, %mul3A_218 : vector<2x768xf32>
    %add3A_220 = vector.broadcast %get3A_7 : vector<1x768xf32> to vector<2x768xf32>
    %add3A_221 = arith.addf %mul3A_219, %add3A_220 : vector<2x768xf32>
    %eq3A_222 = arith.constant 5 : i32
    %eq3A_223 = vector.broadcast %eq3A_222 : i32 to vector<256x2x1xi32>
    %eq3A_224 = arith.cmpi eq, %get3A_11, %eq3A_223 : vector<256x2x1xi32>
    %broadcast_in_dim3A_225 = vector.shape_cast %add3A_221 : vector<2x768xf32> to vector<1x2x768xf32>
    %broadcast_in_dim3A_226 = vector.shape_cast %eq3A_224 : vector<256x2x1xi1> to vector<256x2x1xi1>
    %broadcast_in_dim3A_227 = vector.broadcast %broadcast_in_dim3A_226 : vector<256x2x1xi1> to vector<256x2x768xi1>
    %broadcast_in_dim3A_228 = vector.shape_cast %broadcast_in_dim3A_225 : vector<1x2x768xf32> to vector<1x2x768xf32>
    %broadcast_in_dim3A_229 = vector.broadcast %broadcast_in_dim3A_228 : vector<1x2x768xf32> to vector<256x2x768xf32>
    %select_n3A_230 = arith.select %broadcast_in_dim3A_227, %broadcast_in_dim3A_229, %select_n3A_191 : vector<256x2x768xi1>, vector<256x2x768xf32>
    %swap3A = arith.constant 0 : index
    %swap3A_231 = arith.constant 0 : index
    %swap3A_232 = arith.constant 0 : index
    %swap3A_233 = vector.load %arg8[%swap3A, %swap3A_231, %swap3A_232] : memref<256x2x768xf32, #tpu.memory_space<vmem>>, vector<256x2x768xf32>
    tpu.vector_store %arg8[%swap3A, %swap3A_231, %swap3A_232], %select_n3A_230 {strides = array<i32>} : memref<256x2x768xf32, #tpu.memory_space<vmem>>, vector<256x2x768xf32>,
    %mul3A_234 = arith.constant 256 : i32
    %mul3A_235 = arith.muli %arg0, %mul3A_234 : i32
    %dma_start3A = arith.constant 48 : i32
    %dma_start3A_236 = arith.constant 0 : i32
    %dma_start3A_237 = tpu.memref_slice %arg7[%mul3A_235, %dma_start3A, %dma_start3A_236] : memref<16384x50x768xf32, #tpu.memory_space<any>> -> memref<256x2x768xf32, #tpu.memory_space<any>>
    tpu.enqueue_dma source(%arg8 : memref<256x2x768xf32, #tpu.memory_space<vmem>>) target(%dma_start3A_237 : memref<256x2x768xf32, #tpu.memory_space<any>>) target_semaphore(%arg9 : memref<!tpu.dma_semaphore, #tpu.memory_space<semaphore_mem>>)
    %mul3A_238 = arith.constant 256 : i32
    %mul3A_239 = arith.muli %arg0, %mul3A_238 : i32
    %dma_wait3A = arith.constant 48 : i32
    %dma_wait3A_240 = arith.constant 0 : i32
    %dma_wait3A_241 = tpu.memref_slice %arg7[%mul3A_239, %dma_wait3A, %dma_wait3A_240] : memref<16384x50x768xf32, #tpu.memory_space<any>> -> memref<256x2x768xf32, #tpu.memory_space<any>>
    tpu.wait_dma2 semaphore(%arg9 : memref<!tpu.dma_semaphore, #tpu.memory_space<semaphore_mem>>) src(%arg8 : memref<256x2x768xf32, #tpu.memory_space<vmem>>) dst(%dma_wait3A_241 : memref<256x2x768xf32, #tpu.memory_space<any>>)
    return
  }
  func.func @transform_0(%arg0: i32) -> (i32, i32, i32) {
    %c0_i32 = arith.constant 0 : i32
    %c0_i32_0 = arith.constant 0 : i32
    %c0_i32_1 = arith.constant 0 : i32
    return %arg0, %c0_i32, %c0_i32_0 : i32, i32, i32
  }
  func.func @transform_1(%arg0: i32) -> (i32, i32) {
    %c0_i32 = arith.constant 0 : i32
    %c0_i32_0 = arith.constant 0 : i32
    %c0_i32_1 = arith.constant 0 : i32
    return %c0_i32, %c0_i32_0 : i32, i32
  }
  func.func @transform_2(%arg0: i32) -> (i32, i32) {
    %c0_i32 = arith.constant 0 : i32
    %c0_i32_0 = arith.constant 0 : i32
    %c0_i32_1 = arith.constant 0 : i32
    return %c0_i32, %c0_i32_0 : i32, i32
  }
  func.func @transform_3(%arg0: i32) -> (i32, i32) {
    %c0_i32 = arith.constant 0 : i32
    %c0_i32_0 = arith.constant 0 : i32
    %c0_i32_1 = arith.constant 0 : i32
    return %c0_i32, %c0_i32_0 : i32, i32
  }
  func.func @transform_4(%arg0: i32) -> (i32, i32) {
    %c0_i32 = arith.constant 0 : i32
    %c0_i32_0 = arith.constant 0 : i32
    %c0_i32_1 = arith.constant 0 : i32
    return %c0_i32, %c0_i32_0 : i32, i32
  }
}

</mosaic_0001>

<sc_bundles>
// kernel: _run.5.cloned.1.call-start
scs
__scs_entry_jumppad:
0x0: {  	(pc) =	sbr.rel $0x88, $3  }
0x1: {  	(tag) =	ssettag $0x0;
	lr =	simm.s32 $0x1  }
0x2: {  	[smem:$0x3F9C] =	sst lr;
	_ =	strace $0xD0000000  }
0x3: {  	_ = 	snop  }
0x4: {  	_ = 	snop  }
0x5: {  	_ = 	snop  }
0x6: {  	_ = 	snop  }
0x7: {  	_ = 	snop  }
__scs_overlays_trampoline_lowered:
0x8: {  	[smem:$0x3FAB] =	sst s0  }
0x9: {  	[smem:$0x3FAC] =	sst s1  }
0xa: {  	[smem:$0x3FAD] =	sst s2  }
0xb: {  	[smem:$0x3FAE] =	sst s3  }
0xc: {  	[smem:$0x3FAF] =	sst s4  }
0xd: {  	[smem:$0x3FB0] =	sst s5  }
0xe: {  	[smem:$0x3FB1] =	sst s6  }
0xf: {  	[smem:$0x3FB2] =	sst s7  }
0x10: {  	[smem:$0x3FB3] =	sst s8  }
0x11: {  	[smem:$0x3FB4] =	sst s9;
	s0 =	simm.s32 @!p0 $0x0  }
0x12: {  	s1 =	sld [smem:$0x3F9A];
	s0 =	simm.s32 @p0 $0x1  }
0x13: {  	[smem:$0x3FB5] =	sst s0;
	s0 =	simm.s32 @!p1 $0x0  }
0x14: {  	s2 =	sld [smem:$0x3F99];
	s0 =	simm.s32 @p1 $0x1  }
0x15: {  	[smem:$0x3FB6] =	sst s0;
	s0 =	simm.s32 @!p2 $0x0  }
0x16: {  	s3 =	sld [smem:$0x3FDB];
	s0 =	simm.s32 @p2 $0x1  }
0x17: {  	s4 =	simm.s32 $0x1BF5;
	[smem:$0x3FB8] =	sst s0  }
0x18: {  	s0 =	sld [smem:$0x3F9B];
	_ =	swait.ge [sflag:s4], $0x0  }
0x19: {  	s7 =	sld [smem:$0x3F9C]  }
0x1a: {  	s8 =	sadd.s32 $0xFFFFE003, lr  }
0x1b: {  	s9 =	sadd.s32 $0xFFFFFEF7, lr;
	s5 =	simm.s32 $0xFFFFFFFF;
	p2 =	slt.u32 s8, $0xFFFFF086  }
0x1c: {  	p1 =	slt.u32 s9, $0xF7A;
	s5 =	simm.s32 @!p2 $0x0  }
0x1d: {  	s5 =	simm.s32 @p1 $0x1;
	p0 =	seq.s32 s7, s2  }
0x1e: {  	s7 =	smul.u32 @!p0 $0xF7A, s2;
	p2 =	seq.s32 @!p0 s5, $0x0  }
0x1f: {  	s9 =	smul.u32 $0xF7A, s1;
	s8 =	simm.s32 @!p0 $0x1BF5;
	p2 =	por !p2, p0  }
0x20: {  	[sflag:s8] =	ssyncset.s32 @!p0 $0xFFFFF086;
	s6 =	sadd.s32 @!p0 s3, s7;
	s7 =	simm.s32 @!p0 $0x108  }
0x21: {  	s3 =	sadd.s32 s3, s9;
	s6 =	sadd.s32 @!p0 $0x88, s6;
	s7 =	simm.s32 @p2 $0x1082  }
0x22: {  	[simem:s7], [sflag:s8] =	dma.local @!p0 [hbm:s6], $0xF7A  }
0x23: {  	s9 =	sor.u32 $0xD0000000, s2;
	s6 =	simm.s32 $0x108;
	_ =	swait.ge @!p0 [sflag:s8], $0x0  }
0x24: {  	s3 =	sadd.s32 $0x88, s3;
	s6 =	simm.s32 @!p1 $0x1082;
	[sflag:s4] =	ssyncset.s32 $0xFFFFF086  }
0x25: {  	[simem:s6], [sflag:s4] =	dma.local [hbm:s3], $0xF7A  }
0x26: {  	[smem:$0x3F9C] =	sst s1;
	(tag) =	ssettag s2;
	_ =	strace s9  }
0x27: {  	s1 =	sld [smem:$0x3FAC]  }
0x28: {  	s2 =	sld [smem:$0x3FAD]  }
0x29: {  	s4 =	sld [smem:$0x3FAF]  }
0x2a: {  	p0 =	seq.s32 s5, $0x0;
	s5 =	sld [smem:$0x3FB0]  }
0x2b: {  	s6 =	sld [smem:$0x3FB1]  }
0x2c: {  	s7 =	sld [smem:$0x3FB2]  }
0x2d: {  	s3 =	simm.s32 $0x108;
	s8 =	sld [smem:$0x3FB3]  }
0x2e: {  	s3 =	simm.s32 @!p0 $0x1082;
	s9 =	sld [smem:$0x3FB4]  }
0x2f: {  	lr =	sadd.s32 s0, s3;
	s0 =	sld [smem:$0x3FAB]  }
0x30: {  	s3 =	sld [smem:$0x3FAE]  }
0x31: {  	[smem:$0x3FB7] =	sst s10  }
0x32: {  	s10 =	sld [smem:$0x3FB5];
	_ =	sdelay $0x3  }
0x33: {  	p0 =	seq.s32 s10, $0x1;
	s10 =	sld [smem:$0x3FB7];
	_ =	sdelay $0x3  }
0x34: {  	[smem:$0x3FB7] =	sst s10  }
0x35: {  	s10 =	sld [smem:$0x3FB6];
	_ =	sdelay $0x3  }
0x36: {  	p1 =	seq.s32 s10, $0x1;
	s10 =	sld [smem:$0x3FB7];
	_ =	sdelay $0x3  }
0x37: {  	[smem:$0x3FB7] =	sst s10  }
0x38: {  	s10 =	sld [smem:$0x3FB8]  }
0x39: {  	_ = 	snop;
	(pc) =	sbr.ind lr, $3  }
0x3a: {  	_ = 	snop  }
0x3b: {  	_ = 	snop  }
0x3c: {  	p2 =	seq.s32 s10, $0x1;
	s10 =	sld [smem:$0x3FB7]  }
0x3d: {  	_ =	shalt  }
0x3e: {  	_ =	shalt  }
0x3f: {  	_ =	shalt  }
0x40: {  	_ =	shalt  }
0x41: {  	_ =	shalt  }
0x42: {  	_ =	shalt  }
0x43: {  	_ =	shalt  }
0x44: {  	_ =	shalt  }
0x45: {  	_ =	shalt  }
0x46: {  	_ =	shalt  }
0x47: {  	_ =	shalt  }
0x48: {  	_ =	shalt  }
0x49: {  	_ =	shalt  }
0x4a: {  	_ =	shalt  }
0x4b: {  	_ =	shalt  }
0x4c: {  	_ =	shalt  }
0x4d: {  	_ =	shalt  }
0x4e: {  	_ =	shalt  }
0x4f: {  	_ =	shalt  }
0x50: {  	_ =	shalt  }
0x51: {  	_ =	shalt  }
0x52: {  	_ =	shalt  }
0x53: {  	_ =	shalt  }
0x54: {  	_ =	shalt  }
0x55: {  	_ =	shalt  }
0x56: {  	_ =	shalt  }
0x57: {  	_ =	shalt  }
0x58: {  	_ =	shalt  }
0x59: {  	_ =	shalt  }
0x5a: {  	_ =	shalt  }
0x5b: {  	_ =	shalt  }
0x5c: {  	_ =	shalt  }
0x5d: {  	_ =	shalt  }
0x5e: {  	_ =	shalt  }
0x5f: {  	_ =	shalt  }
0x60: {  	_ =	shalt  }
0x61: {  	_ =	shalt  }
0x62: {  	_ =	shalt  }
0x63: {  	_ =	shalt  }
0x64: {  	_ =	shalt  }
0x65: {  	_ =	shalt  }
0x66: {  	_ =	shalt  }
0x67: {  	_ =	shalt  }
0x68: {  	_ =	shalt  }
0x69: {  	_ =	shalt  }
0x6a: {  	_ =	shalt  }
0x6b: {  	_ =	shalt  }
0x6c: {  	_ =	shalt  }
0x6d: {  	_ =	shalt  }
0x6e: {  	_ =	shalt  }
0x6f: {  	_ =	shalt  }
0x70: {  	_ =	shalt  }
0x71: {  	_ =	shalt  }
0x72: {  	_ =	shalt  }
0x73: {  	_ =	shalt  }
0x74: {  	_ =	shalt  }
0x75: {  	_ =	shalt  }
0x76: {  	_ =	shalt  }
0x77: {  	_ =	shalt  }
0x78: {  	_ =	shalt  }
0x79: {  	_ =	shalt  }
0x7a: {  	_ =	shalt  }
0x7b: {  	_ =	shalt  }
0x7c: {  	_ =	shalt  }
0x7d: {  	_ =	shalt  }
0x7e: {  	_ =	shalt  }
0x7f: {  	_ =	shalt  }
0x80: {  	_ =	shalt  }
0x81: {  	_ =	shalt  }
0x82: {  	_ =	shalt  }
0x83: {  	_ =	shalt  }
0x84: {  	_ =	shalt  }
0x85: {  	_ =	shalt  }
0x86: {  	_ =	shalt  }
0x87: {  	_ =	shalt  }
.Lfunc_end0:
.L_simem_size_0:
called_computation_lowered:
.L_overlay_start_0:
0x88: {  	s2 =	sld [smem:$0x3FD9]  }
0x89: {  	s3 =	sld [smem:$0x3FFE];
	_ =	sdelay $0x1  }
0x8a: {  	s1 =	srdreg.scid  }
0x8b: {  	s0 =	sand.u32 $0x1, s1  }
0x8c: {  	s17 =	sshll.u32 s0, $0xA;
	s2 =	sadd.s32 s3, s2  }
0x8d: {  	s2 =	sadd.s32 s2, s17  }
0x8e: {  	[smem:$0x3FC3] =	sst s2  }
0x8f: {  	_ = 	snop  }
0x90: {  	s2 =	sld [smem:$0x3FD0];
	(tm) =	ssettm $0x1  }
0x91: {  	s18 =	sld [smem:$0x3FFB];
	_ =	sdelay $0x3  }
0x92: {  	_ =	strace s18  }
0x93: {  	s3 =	sld [smem:$0x3FFC];
	_ =	sdelay $0x3  }
0x94: {  	_ =	strace s3  }
0x95: {  	s3 =	sld [smem:$0x3FFD];
	_ =	sdelay $0x3  }
0x96: {  	_ =	strace s3  }
0x97: {  	_ =	strace $0x8FFFFFFF  }
0x98: {  	s19 =	sld [smem:$0x3FDB];
	_ =	sdelay $0x1  }
0x99: {  	s4 =	simm.s32 $_scs_section_size  }
0x9a: {  	s5 =	simm.s32 $_size__tile_overlayer_lowered;
	s6 =	simm.s32 $_tile_overlayer_lowered  }
0x9b: {  	s22 =	simm.s32 $0x1BFF;
	s21 =	sshll.u32 s6, $0x1;
	s3 =	sadd.s32 s4, s19  }
0x9c: {  	s7 =	simm.s32 $0x0;
	s20 =	sshll.u32 s5, $0x1;
	s5 =	sadd.s32 s21, s3  }
0x9d: {  	[timem:s7], [sflag:s22] =	dma.local [hbm:s5], s20  }
0x9e: {  	_ =	swait.ge [sflag:s22], s20  }
0x9f: {  	s4 =	ssub.s32 $0x0, s20;
	[sflag:s22] =	ssyncset.done $0x0  }
0xa0: {  	[sflag:s22] =	ssyncadd.s32 s4;
	_ =	sdelay $0x1  }
0xa1: {  	s23 =	simm.s32 $0x1B8B  }
0xa2: {  	_ =	swait.ge [sflag:s23], $0x1  }
0xa3: {  	[sflag:s23] =	ssyncset.done $0x0  }
0xa4: {  	s25 =	simm.s32 $0x1B8E;
	s24 =	sld [smem:$0x3FFE];
	[sflag:s23] =	ssyncadd.s32 $0xFFFFFFFF  }
0xa5: {  	s26 =	simm.s32 $execute0_lowered;
	[smem:$0x3FD2] =	sst s25  }
0xa6: {  	s5 =	sshll.u32 s26, $0x1;
	_ =	strace $0x80000046;
	[dreg:$0x1] =	wrdreg $0xFFFFFFFF  }
0xa7: {  	s28 =	simm.s32 $_size_execute0_lowered;
	s3 =	sadd.s32 s3, s5;
	[dreg:$0x0] =	wrdreg $0x0  }
0xa8: {  	s5 =	sshll.u32 s28, $0x1;
	[dreg:$0x2] =	wrdreg s3  }
0xa9: {  	[dreg:$0x3] =	wrdreg s5  }
0xaa: {  	[dreg:$0x4] =	wrdreg $0xC0  }
0xab: {  	_ =	task [dreg:s7], $0x5FFFF  }
0xac: {  	[dreg:$0x1] =	wrdreg $0xFFFFFFFF  }
0xad: {  	[dreg:$0x0] =	wrdreg $0x60  }
0xae: {  	[dreg:$0x2] =	wrdreg s24  }
0xaf: {  	[dreg:$0x3] =	wrdreg s2  }
0xb0: {  	[dreg:$0x4] =	wrdreg $0x9  }
0xb1: {  	_ =	task.clear_ibuf [dreg:s7], $0x5FFFF;
	_ =	strace $0x90000046  }
0xb2: {  	s29 =	simm.s32 $0x9;
	_ =	strace $0x80000048  }
0xb3: {  	_ =	swait.ge [sflag:s29], $0x1  }
0xb4: {  	[sflag:s29] =	ssyncadd.s32 $0xFFFFFFFF  }
0xb5: {  	_ =	strace $0x90000048  }
0xb6: {  	_ =	sfence  }
0xb7: {  	s30 =	sld [smem:$0x0];
	_ =	sdelay $0x2  }
0xb8: {  	s31 =	sshll.u32 s1, $0xD;
	s1 =	sshrl.u32 s1, $0x2  }
0xb9: {  	s3 =	sand.u32 $0x4000, s31;
	s1 =	sadd.s32 s1, s30  }
0xba: {  	s0 =	sor.u32 s3, s0;
	s1 =	sshll.u32 s1, $0x11  }
0xbb: {  	s0 =	sor.u32 s1, s0  }
0xbc: {  	s0 =	sadd.s32 $0x8F2B, s0  }
0xbd: {  	[sflag:s0] =	ssyncadd.remote.s32 $0x1  }
0xbe: {  	_ =	sfence.sel $0xFFFF  }
0xbf: {  	[dreg:$0x0] =	wrdreg $0xFFFFFFFF;
	(pc) =	sbr.abs _section_cstart, $3  }
0xc0: {  	[dreg:$0x1] =	wrdreg $0xFFFFFFFF  }
0xc1: {  	_ =	task.clear_ibuf [dreg:s7], $0x2FFFF;
	_ =	strace $0x9FFFFFFF  }
0xc2: {  	(tm) =	ssettm $0x7FFFFFFF  }
0xc3: {  	_ =	shalt  }
tec
execute0_lowered:
.L_overlay_start_1:
0x0: {  	(tag) =	ssettag $0x1  }
0x1: {  	s1 =	srdreg.scid;
	s6 =	rddreg [dreg:$0x0]  }
0x2: {  	s0 =	stileid.u32;
	s5 =	rddreg [dreg:$0x1];
	s2 =	simm.s32 $0x0  }
0x3: {  	s9 =	simm.s32 $0x9800;
	s10 =	simm.s32 $0xA000;
	[smem:$0x7FF] =	sst s2  }
0x4: {  	s11 =	simm.s32 $0xA800;
	_ =	strace $0x80000047;
	[dreg:$0x7] =	wrdreg s9  }
0x5: {  	s13 =	simm.s32 $0xB000;
	s15 =	simm.s32 $0xB800;
	[dreg:$0x8] =	wrdreg s10  }
0x6: {  	s16 =	simm.s32 $0xC000;
	s18 =	simm.s32 $0xC800;
	[dreg:$0x9] =	wrdreg s11  }
0x7: {  	s19 =	simm.s32 $0xD000;
	s20 =	simm.s32 $0xD800;
	[dreg:$0xa] =	wrdreg s13  }
0x8: {  	s22 =	simm.s32 $0xE000;
	s23 =	simm.s32 $0xE800;
	[dreg:$0xb] =	wrdreg s15  }
0x9: {  	s24 =	simm.s32 $0xF000;
	s25 =	simm.s32 $0xF800;
	[dreg:$0xc] =	wrdreg s16  }
0xa: {  	s26 =	simm.s32 $0x10000;
	s28 =	simm.s32 $0x19800;
	[dreg:$0xd] =	wrdreg s18  }
0xb: {  	s29 =	simm.s32 $0x1;
	s30 =	simm.s32 $0x0;
	[dreg:$0xe] =	wrdreg s19  }
0xc: {  	s1 =	sand.u32 $0x1, s1;
	s3 =	smul.u32 $0x2A00000, s0;
	[dreg:$0xf] =	wrdreg s20  }
0xd: {  	s31 =	smul.u32 $0x540000, s0;
	s7 =	sadd.s32 $0x8A00, s6;
	[dreg:$0x10] =	wrdreg s22  }
0xe: {  	s17 =	sshll.u32 s0, $0xD;
	s4 =	smul.u32 $0x1500000, s1;
	[dreg:$0x11] =	wrdreg s23  }
0xf: {  	s8 =	smul.u32 $0x2A0000, s1;
	s12 =	ssub.s32 $0x2, s1;
	[dreg:$0x12] =	wrdreg s24  }
0x10: {  	s1 =	sshll.u32 s1, $0xC;
	[dreg:$0x13] =	wrdreg s25;
	s9 =	simm.s32 $0x8000  }
0x11: {  	[dreg:$0x14] =	wrdreg s26;
	s10 =	simm.s32 $0x11000;
	s11 =	simm.s32 $0x11800  }
0x12: {  	s13 =	simm.s32 $0x12800;
	s15 =	simm.s32 $0x13800;
	s16 =	simm.s32 $0x14000  }
0x13: {  	s18 =	simm.s32 $0x15000;
	s19 =	simm.s32 $0x15800;
	s20 =	simm.s32 $0x16000  }
0x14: {  	s22 =	simm.s32 $0x17000;
	s23 =	simm.s32 $0x17800;
	s24 =	simm.s32 $0x18000  }
0x15: {  	s25 =	simm.s32 $0x18800;
	s26 =	simm.s32 $0x19000;
	s1 =	sor.u32 s1, s17  }
0x16: {  	s14 =	sshrl.u32 s12, $0x1;
	s3 =	sadd.s32 s4, s3;
	s21 =	sadd.s32 s5, s1  }
0x17: {  	s4 =	sadd.s32 s31, s7;
	s31 =	simm.s32 $0x10800;
	[dreg:$0x16] =	wrdreg s21  }
0x18: {  	s3 =	sor.u32 $0xA800, s3;
	s4 =	sadd.s32 s8, s4;
	[dreg:$0x15] =	wrdreg s31  }
0x19: {  	s8 =	simm.s32 $0x9000;
	s3 =	sshrl.u32 s3, $0x3;
	[dreg:$0x4] =	wrdreg s4  }
0x1a: {  	s17 =	simm.s32 $0x14800;
	[dreg:$0x6] =	wrdreg s8;
	s3 =	sadd.s32 s3, s7  }
0x1b: {  	s5 =	sadd.s32 $0x1900, s6;
	s7 =	simm.s32 $0x8800;
	[dreg:$0x3] =	wrdreg s3  }
0x1c: {  	v2 =	vlaneseq.u32;
	s21 =	simm.s32 $0x16800;
	s8 =	simm.s32 $0x2;
	[dreg:$0x5] =	wrdreg s7  }
0x1d: {  	vm0 =	vmmov $0xffff;
	v1 =	vshrl.u32 v2, $0x3;
	s3 =	sadd.s32 $0x1800, s6;
	s7 =	ssub.s32 s12, s14;
	s6 =	sadd.s32 $0x1A00, s6  }
0x1e: {  	v0 =	vand.u32 $0x7, v2;
	v2 =	vor.u32 $0x8, v2;
	v1 =	vmul.u32 $0x8, v1;
	s12 =	simm.s32 $0x12000;
	s14 =	simm.s32 $0x13000;
	s7 =	smax.u32 s7, $0x1  }
.LBB2_1:
0x1f: {  	s0 =	rddreg [dreg:$0x16]  }
0x20: {  	[tilespmem:s2], [sflag:$0x2] =	stream.linear.gather [hbm4b:s0+s2], $0x8000, $0x38;
	[tilespmem:$0x1A000] =	vst v63  }
0x21: {  	_ =	swait.ge [sflag:s8], $0x8000  }
0x22: {  	[sflag:s8] =	ssyncset.done $0x0  }
0x23: {  	s31 =	simm.s32 $0x30;
	s1 =	simm.s32 $0x0;
	[sflag:s8] =	ssyncadd.s32 $0xFFFF8000  }
.LBB2_2:
0x24: {  	v3 =	vld [tilespmem:s31+$0xFFFFFFD0];
	_ =	sdelay $0x4  }
0x25: {  	v4 =	vshrl.u32 v3, $0x3  }
0x26: {  	v4 =	vmul.u32 $0x30, v4  }
0x27: {  	v3 =	vand.u32 $0x7, v3  }
0x28: {  	v3 =	vor.u32 v3, v4  }
0x29: {  	v4 =	vperm.xlane v3, v0;
	_ =	sdelay $0x1  }
0x2a: {  	v4 =	vadd.s32 v1, v4;
	_ =	sdelay $0x3  }
0x2b: {  	v3 =	vperm.xlane v3, v2  }
0x2c: {  	[tilespmem:s9], [sflag:$0x1] =	stream.indirect_vreg.gather [hbm4b:s3+s2], $0x80, v4, vm0, $0xb8;
	[tilespmem:$0x1A000] =	vst v63  }
0x2d: {  	s0 =	rddreg [dreg:$0x5];
	v3 =	vadd.s32 v1, v3  }
0x2e: {  	[tilespmem:s0], [sflag:$0x1] =	stream.indirect_vreg.gather [hbm4b:s5+s2], $0x80, v4, vm0, $0xb8;
	[tilespmem:$0x1A000] =	vst v63  }
0x2f: {  	s4 =	rddreg [dreg:$0x6]  }
0x30: {  	[tilespmem:s4], [sflag:$0x1] =	stream.indirect_vreg.gather [hbm4b:s6+s2], $0x80, v4, vm0, $0xb8;
	[tilespmem:$0x1A000] =	vst v63  }
0x31: {  	s0 =	rddreg [dreg:$0x7]  }
0x32: {  	[tilespmem:s0], [sflag:$0x1] =	stream.indirect_vreg.gather [hbm4b:s3+s2], $0x80, v3, vm0, $0xb8;
	[tilespmem:$0x1A000] =	vst v63  }
0x33: {  	s4 =	rddreg [dreg:$0x8]  }
0x34: {  	[tilespmem:s4], [sflag:$0x1] =	stream.indirect_vreg.gather [hbm4b:s5+s2], $0x80, v3, vm0, $0xb8;
	[tilespmem:$0x1A000] =	vst v63  }
0x35: {  	s0 =	rddreg [dreg:$0x9]  }
0x36: {  	[tilespmem:s0], [sflag:$0x1] =	stream.indirect_vreg.gather [hbm4b:s6+s2], $0x80, v3, vm0, $0xb8;
	[tilespmem:$0x1A000] =	vst v63  }
0x37: {  	v3 =	vld [tilespmem:s31+$0xFFFFFFE0];
	_ =	sdelay $0x4  }
0x38: {  	v59 =	vshrl.u32 v3, $0x3  }
0x39: {  	v4 =	vmul.u32 $0x30, v59  }
0x3a: {  	v3 =	vand.u32 $0x7, v3  }
0x3b: {  	v3 =	vor.u32 v3, v4  }
0x3c: {  	v4 =	vperm.xlane v3, v0;
	_ =	sdelay $0x1  }
0x3d: {  	v4 =	vadd.s32 v1, v4;
	_ =	sdelay $0x3  }
0x3e: {  	s0 =	rddreg [dreg:$0xa];
	v3 =	vperm.xlane v3, v2  }
0x3f: {  	[tilespmem:s0], [sflag:$0x1] =	stream.indirect_vreg.gather [hbm4b:s3+s2], $0x80, v4, vm0, $0xb8;
	[tilespmem:$0x1A000] =	vst v63  }
0x40: {  	s4 =	rddreg [dreg:$0xb];
	v3 =	vadd.s32 v1, v3  }
0x41: {  	[tilespmem:s4], [sflag:$0x1] =	stream.indirect_vreg.gather [hbm4b:s5+s2], $0x80, v4, vm0, $0xb8;
	[tilespmem:$0x1A000] =	vst v63  }
0x42: {  	s0 =	rddreg [dreg:$0xc]  }
0x43: {  	[tilespmem:s0], [sflag:$0x1] =	stream.indirect_vreg.gather [hbm4b:s6+s2], $0x80, v4, vm0, $0xb8;
	[tilespmem:$0x1A000] =	vst v63  }
0x44: {  	s4 =	rddreg [dreg:$0xd]  }
0x45: {  	[tilespmem:s4], [sflag:$0x1] =	stream.indirect_vreg.gather [hbm4b:s3+s2], $0x80, v3, vm0, $0xb8;
	[tilespmem:$0x1A000] =	vst v63  }
0x46: {  	s0 =	rddreg [dreg:$0xe]  }
0x47: {  	[tilespmem:s0], [sflag:$0x1] =	stream.indirect_vreg.gather [hbm4b:s5+s2], $0x80, v3, vm0, $0xb8;
	[tilespmem:$0x1A000] =	vst v63  }
0x48: {  	s4 =	rddreg [dreg:$0xf]  }
0x49: {  	[tilespmem:s4], [sflag:$0x1] =	stream.indirect_vreg.gather [hbm4b:s6+s2], $0x80, v3, vm0, $0xb8;
	[tilespmem:$0x1A000] =	vst v63  }
0x4a: {  	v3 =	vld [tilespmem:s31+$0xFFFFFFF0];
	_ =	sdelay $0x4  }
0x4b: {  	v60 =	vshrl.u32 v3, $0x3  }
0x4c: {  	v4 =	vmul.u32 $0x30, v60  }
0x4d: {  	v3 =	vand.u32 $0x7, v3  }
0x4e: {  	v3 =	vor.u32 v3, v4  }
0x4f: {  	v4 =	vperm.xlane v3, v0;
	_ =	sdelay $0x1  }
0x50: {  	v4 =	vadd.s32 v1, v4;
	_ =	sdelay $0x3  }
0x51: {  	s0 =	rddreg [dreg:$0x10];
	v3 =	vperm.xlane v3, v2  }
0x52: {  	[tilespmem:s0], [sflag:$0x1] =	stream.indirect_vreg.gather [hbm4b:s3+s2], $0x80, v4, vm0, $0xb8;
	[tilespmem:$0x1A000] =	vst v63  }
0x53: {  	s4 =	rddreg [dreg:$0x11];
	v3 =	vadd.s32 v1, v3  }
0x54: {  	[tilespmem:s4], [sflag:$0x1] =	stream.indirect_vreg.gather [hbm4b:s5+s2], $0x80, v4, vm0, $0xb8;
	[tilespmem:$0x1A000] =	vst v63  }
0x55: {  	s0 =	rddreg [dreg:$0x12]  }
0x56: {  	[tilespmem:s0], [sflag:$0x1] =	stream.indirect_vreg.gather [hbm4b:s6+s2], $0x80, v4, vm0, $0xb8;
	[tilespmem:$0x1A000] =	vst v63  }
0x57: {  	s4 =	rddreg [dreg:$0x13]  }
0x58: {  	[tilespmem:s4], [sflag:$0x1] =	stream.indirect_vreg.gather [hbm4b:s3+s2], $0x80, v3, vm0, $0xb8;
	[tilespmem:$0x1A000] =	vst v63  }
0x59: {  	s0 =	rddreg [dreg:$0x14]  }
0x5a: {  	[tilespmem:s0], [sflag:$0x1] =	stream.indirect_vreg.gather [hbm4b:s5+s2], $0x80, v3, vm0, $0xb8;
	[tilespmem:$0x1A000] =	vst v63  }
0x5b: {  	s4 =	rddreg [dreg:$0x15]  }
0x5c: {  	[tilespmem:s4], [sflag:$0x1] =	stream.indirect_vreg.gather [hbm4b:s6+s2], $0x80, v3, vm0, $0xb8;
	[tilespmem:$0x1A000] =	vst v63  }
0x5d: {  	v3 =	vld [tilespmem:s31+$0x0];
	_ =	sdelay $0x4  }
0x5e: {  	v61 =	vshrl.u32 v3, $0x3  }
0x5f: {  	v4 =	vmul.u32 $0x30, v61  }
0x60: {  	v3 =	vand.u32 $0x7, v3  }
0x61: {  	v3 =	vor.u32 v3, v4  }
0x62: {  	v4 =	vperm.xlane v3, v0;
	_ =	sdelay $0x1  }
0x63: {  	v4 =	vadd.s32 v1, v4;
	_ =	sdelay $0x3  }
0x64: {  	v3 =	vperm.xlane v3, v2  }
0x65: {  	[tilespmem:s10], [sflag:$0x1] =	stream.indirect_vreg.gather [hbm4b:s3+s2], $0x80, v4, vm0, $0xb8;
	[tilespmem:$0x1A000] =	vst v63  }
0x66: {  	v3 =	vadd.s32 v1, v3  }
0x67: {  	[tilespmem:s11], [sflag:$0x1] =	stream.indirect_vreg.gather [hbm4b:s5+s2], $0x80, v4, vm0, $0xb8;
	[tilespmem:$0x1A000] =	vst v63  }
0x68: {  	_ = 	snop  }
0x69: {  	[tilespmem:s12], [sflag:$0x1] =	stream.indirect_vreg.gather [hbm4b:s6+s2], $0x80, v4, vm0, $0xb8;
	[tilespmem:$0x1A000] =	vst v63  }
0x6a: {  	_ = 	snop  }
0x6b: {  	[tilespmem:s13], [sflag:$0x1] =	stream.indirect_vreg.gather [hbm4b:s3+s2], $0x80, v3, vm0, $0xb8;
	[tilespmem:$0x1A000] =	vst v63  }
0x6c: {  	_ = 	snop  }
0x6d: {  	[tilespmem:s14], [sflag:$0x1] =	stream.indirect_vreg.gather [hbm4b:s5+s2], $0x80, v3, vm0, $0xb8;
	[tilespmem:$0x1A000] =	vst v63  }
0x6e: {  	_ = 	snop  }
0x6f: {  	[tilespmem:s15], [sflag:$0x1] =	stream.indirect_vreg.gather [hbm4b:s6+s2], $0x80, v3, vm0, $0xb8;
	[tilespmem:$0x1A000] =	vst v63  }
0x70: {  	v3 =	vld [tilespmem:s31+$0x10];
	_ =	sdelay $0x4  }
0x71: {  	v62 =	vshrl.u32 v3, $0x3  }
0x72: {  	v4 =	vmul.u32 $0x30, v62  }
0x73: {  	v3 =	vand.u32 $0x7, v3  }
0x74: {  	v3 =	vor.u32 v3, v4  }
0x75: {  	v4 =	vperm.xlane v3, v0;
	_ =	sdelay $0x1  }
0x76: {  	v4 =	vadd.s32 v1, v4;
	_ =	sdelay $0x3  }
0x77: {  	v3 =	vperm.xlane v3, v2  }
0x78: {  	[tilespmem:s16], [sflag:$0x1] =	stream.indirect_vreg.gather [hbm4b:s3+s2], $0x80, v4, vm0, $0xb8;
	[tilespmem:$0x1A000] =	vst v63  }
0x79: {  	v3 =	vadd.s32 v1, v3  }
0x7a: {  	[tilespmem:s17], [sflag:$0x1] =	stream.indirect_vreg.gather [hbm4b:s5+s2], $0x80, v4, vm0, $0xb8;
	[tilespmem:$0x1A000] =	vst v63  }
0x7b: {  	_ = 	snop  }
0x7c: {  	[tilespmem:s18], [sflag:$0x1] =	stream.indirect_vreg.gather [hbm4b:s6+s2], $0x80, v4, vm0, $0xb8;
	[tilespmem:$0x1A000] =	vst v63  }
0x7d: {  	_ = 	snop  }
0x7e: {  	[tilespmem:s19], [sflag:$0x1] =	stream.indirect_vreg.gather [hbm4b:s3+s2], $0x80, v3, vm0, $0xb8;
	[tilespmem:$0x1A000] =	vst v63  }
0x7f: {  	_ = 	snop  }
0x80: {  	[tilespmem:s20], [sflag:$0x1] =	stream.indirect_vreg.gather [hbm4b:s5+s2], $0x80, v3, vm0, $0xb8;
	[tilespmem:$0x1A000] =	vst v63  }
0x81: {  	_ = 	snop  }
0x82: {  	[tilespmem:s21], [sflag:$0x1] =	stream.indirect_vreg.gather [hbm4b:s6+s2], $0x80, v3, vm0, $0xb8;
	[tilespmem:$0x1A000] =	vst v63  }
0x83: {  	v3 =	vld [tilespmem:s31+$0x20];
	_ =	sdelay $0x4  }
0x84: {  	v63 =	vshrl.u32 v3, $0x3  }
0x85: {  	v4 =	vmul.u32 $0x30, v63  }
0x86: {  	v3 =	vand.u32 $0x7, v3  }
0x87: {  	v3 =	vor.u32 v3, v4  }
0x88: {  	v4 =	vperm.xlane v3, v0;
	_ =	sdelay $0x1  }
0x89: {  	v4 =	vadd.s32 v1, v4;
	_ =	sdelay $0x3  }
0x8a: {  	v3 =	vperm.xlane v3, v2  }
0x8b: {  	[tilespmem:s22], [sflag:$0x1] =	stream.indirect_vreg.gather [hbm4b:s3+s2], $0x80, v4, vm0, $0xb8;
	[tilespmem:$0x1A000] =	vst v63  }
0x8c: {  	v3 =	vadd.s32 v1, v3  }
0x8d: {  	[tilespmem:s23], [sflag:$0x1] =	stream.indirect_vreg.gather [hbm4b:s5+s2], $0x80, v4, vm0, $0xb8;
	[tilespmem:$0x1A000] =	vst v63  }
0x8e: {  	_ = 	snop  }
0x8f: {  	[tilespmem:s24], [sflag:$0x1] =	stream.indirect_vreg.gather [hbm4b:s6+s2], $0x80, v4, vm0, $0xb8;
	[tilespmem:$0x1A000] =	vst v63  }
0x90: {  	_ = 	snop  }
0x91: {  	[tilespmem:s25], [sflag:$0x1] =	stream.indirect_vreg.gather [hbm4b:s3+s2], $0x80, v3, vm0, $0xb8;
	[tilespmem:$0x1A000] =	vst v63  }
0x92: {  	_ = 	snop  }
0x93: {  	[tilespmem:s26], [sflag:$0x1] =	stream.indirect_vreg.gather [hbm4b:s5+s2], $0x80, v3, vm0, $0xb8;
	[tilespmem:$0x1A000] =	vst v63  }
0x94: {  	_ = 	snop  }
0x95: {  	[tilespmem:s28], [sflag:$0x1] =	stream.indirect_vreg.gather [hbm4b:s6+s2], $0x80, v3, vm0, $0xb8;
	[tilespmem:$0x1A000] =	vst v63  }
0x96: {  	_ =	swait.ge [sflag:s29], $0x12000  }
0x97: {  	s4 =	rddreg [dreg:$0x4];
	[sflag:s29] =	ssyncset.done $0x0  }
0x98: {  	[sflag:s29] =	ssyncadd.s32 $0xFFFEE000;
	s0 =	sadd.s32 s1, s4  }
0x99: {  	[hbm4b:s0+s2] =	stream.linear.scatter [tilespmem:s9], [sflag:$0x2], $0x9000, $0x38;
	[tilespmem:$0x1A000] =	vst v63  }
0x9a: {  	_ =	swait.ge [sflag:s8], $0x9000  }
0x9b: {  	p0 =	sne.s32 s1, $0x29D600;
	s4 =	rddreg [dreg:$0x3];
	[sflag:s8] =	ssyncset.done $0x0  }
.Ltmp0:
0x9c: {  	[sflag:s8] =	ssyncadd.s32 $0xFFFF7000;
	s0 =	sadd.s32 s1, s4;
	(pc) =	sbr.rel @p0 .LBB2_2-.Ltmp0, $4  }
0x9d: {  	[hbm4b:s0+s2] =	stream.linear.scatter [tilespmem:s10], [sflag:$0x2], $0x9000, $0x38;
	[tilespmem:$0x1A000] =	vst v63  }
0x9e: {  	_ =	swait.ge [sflag:s8], $0x9000  }
0x9f: {  	[sflag:s8] =	ssyncset.done $0x0  }
0xa0: {  	s31 =	sadd.s32 $0x80, s31;
	s1 =	sadd.s32 $0x2A00, s1;
	[sflag:s8] =	ssyncadd.s32 $0xFFFF7000  }
0xa1: {  	s30 =	sadd.s32 $0x1, s30  }
0xa2: {  	p0 =	sne.s32 s30, s7  }
.Ltmp1:
0xa3: {  	_ = 	snop;
	(pc) =	sbr.rel @p0 .LBB2_1-.Ltmp1, $1  }
0xa4: {  	_ =	sdelay $0x3  }
0xa5: {  	_ =	sfence.sel $0x180000  }
0xa6: {  	[bflag:$0x0] =	sbarrier.arrive $0xFFFF  }
0xa7: {  	_ =	strace $0x90000047  }
0xa8: {  	s0 =	stileid.u32;
	[bflag:$0x2] =	sbarrier.arrive $0xFFFF  }
0xa9: {  	p0 =	sne.s32 s0, $0x0;
	s0 =	rddreg [dreg:$0x2]  }
0xaa: {  	s0 =	sadd.s32 @!p0 $0x100000, s0  }
0xab: {  	[sflag:s0] =	ssyncadd.tile.s32 @!p0 $0x1;
	_ =	shalt  }
.Lfunc_end2:
_tile_overlayer_lowered:
.L_overlay_start_2:
0xac: {  	(tag) =	ssettag $0x2  }
0xad: {  	s0 =	rddreg [dreg:$0x0];
	s2 =	stileid.u32  }
0xae: {  	s1 =	rddreg [dreg:$0x1];
	p0 =	sne.s32 s2, $0x0  }
0xaf: {  	s3 =	rddreg [dreg:$0x2];
	[bflag:$0x3] =	sbarrier.arrive $0xFFFF;
	s2 =	simm.s32 @!p0 $0x1C02  }
0xb0: {  	[timem:s3], [sflag:s2] =	dma.local @!p0 [hbm:s0], s1  }
0xb1: {  	s0 =	simm.s32 @!p0 $0x2  }
0xb2: {  	_ =	swait.ge @!p0 [sflag:s0], s1  }
0xb3: {  	s1 =	ssub.s32 @!p0 $0x0, s1;
	[sflag:s0] =	ssyncset.done @!p0 $0x0  }
0xb4: {  	[sflag:s0] =	ssyncadd.s32 @!p0 s1  }
0xb5: {  	[bflag:$0x3] =	sbarrier.arrive $0xFFFF  }
0xb6: {  	_ =	shalt  }

</sc_bundles>
